<compile_context>
chip_gen: v7x
topology: tpu7x:2x2x1
jax: 0.10.2.dev20260603
libtpu: 0.0.44.dev20260713+nightly
codegen_flags: <defaults>
</compile_context>

<pallas_src>
import functools

import jax
import jax.numpy as jnp
from jax import lax
from jax.experimental import pallas as pl
from jax.experimental.pallas import tpu as pltpu, tpu_sc as plsc

N = 10000
NPAD = 10240
E = 320000
D = 128
NW = 32
CHUNK = 125
ROWS_W = E // NW // CHUNK
SLAB = 8
NSLAB = ROWS_W // SLAB
SLICE = NPAD // 16

_mesh = plsc.VectorSubcoreMesh(core_axis_name="c", subcore_axis_name="s")

f32 = jnp.float32


@functools.partial(
    pl.kernel,
    out_type=[jax.ShapeDtypeStruct((NPAD,), f32),
              jax.ShapeDtypeStruct((NPAD,), f32)],
    mesh=_mesh,
    scratch_types=[
        pltpu.VMEM((ROWS_W, CHUNK), jnp.int32),
        pltpu.VMEM((SLICE,), f32),
        pltpu.VMEM_SHARED((NPAD,), f32),
    ],
)
def _sc_degree(dst_hbm, deg0_hbm, deg1_hbm, dst_v, buf_v, shared):
    cid = lax.axis_index("c")
    sid = lax.axis_index("s")
    wid = sid * 2 + cid

    def _zero(i, carry):
        buf_v[pl.ds(i * 16, 16)] = jnp.zeros((16,), f32)
        return carry
    lax.fori_loop(0, SLICE // 16, _zero, 0)

    pltpu.sync_copy(buf_v, shared.at[pl.ds(sid * SLICE, SLICE)])
    plsc.subcore_barrier()

    def _ones(i, carry):
        buf_v[pl.ds(i * 16, 16)] = jnp.ones((16,), f32)
        return carry
    lax.fori_loop(0, SLICE // 16 // 4, _ones, 0)

    pltpu.sync_copy(dst_hbm.at[wid], dst_v)

    def _scat(j, carry):
        pltpu.sync_copy(buf_v.at[pl.ds(0, CHUNK)],
                        shared.at[dst_v.at[j]], add=True)
        return carry
    lax.fori_loop(0, ROWS_W, _scat, 0)

    plsc.subcore_barrier()

    @pl.when(cid == 0)
    def _():
        pltpu.sync_copy(shared.at[pl.ds(sid * SLICE, SLICE)],
                        deg0_hbm.at[pl.ds(sid * SLICE, SLICE)])

    @pl.when(cid == 1)
    def _():
        pltpu.sync_copy(shared.at[pl.ds(sid * SLICE, SLICE)],
                        deg1_hbm.at[pl.ds(sid * SLICE, SLICE)])


@functools.partial(
    pl.kernel,
    out_type=[jax.ShapeDtypeStruct((NPAD, D), f32),
              jax.ShapeDtypeStruct((NPAD, D), f32)],
    mesh=_mesh,
    scratch_types=[
        pltpu.VMEM((SLAB, CHUNK), jnp.int32),
        pltpu.VMEM((SLAB, CHUNK), jnp.int32),
        pltpu.VMEM((CHUNK, D), f32),
        pltpu.VMEM_SHARED((NPAD, D), f32),
        pltpu.SemaphoreType.DMA,
    ],
)
def _sc_edges(src_hbm, dst_hbm, y_hbm, a0_hbm, a1_hbm,
              src_v, dst_v, rows_v, shared, gsem):
    cid = lax.axis_index("c")
    sid = lax.axis_index("s")
    wid = sid * 2 + cid

    def _zero(i, carry):
        rows_v[i // 8, pl.ds((i % 8) * 16, 16)] = jnp.zeros((16,), f32)
        return carry
    lax.fori_loop(0, 80 * 8, _zero, 0)

    def _zcopy(i, carry):
        pltpu.sync_copy(rows_v.at[pl.ds(0, 80)],
                        shared.at[pl.ds(sid * SLICE + i * 80, 80)])
        return carry
    lax.fori_loop(0, SLICE // 80, _zcopy, 0)
    plsc.subcore_barrier()

    def _slab(s, carry):
        pltpu.sync_copy(src_hbm.at[wid, pl.ds(s * SLAB, SLAB)], src_v)
        pltpu.sync_copy(dst_hbm.at[wid, pl.ds(s * SLAB, SLAB)], dst_v)

        def _edge(j, carry2):
            pltpu.async_copy(y_hbm.at[src_v.at[j]], rows_v, gsem).wait()
            pltpu.sync_copy(rows_v, shared.at[dst_v.at[j]], add=True)
            return carry2
        lax.fori_loop(0, SLAB, _edge, 0)
        return carry
    lax.fori_loop(0, NSLAB, _slab, 0)

    plsc.subcore_barrier()

    @pl.when(cid == 0)
    def _():
        pltpu.sync_copy(shared.at[pl.ds(sid * SLICE, SLICE)],
                        a0_hbm.at[pl.ds(sid * SLICE, SLICE)])

    @pl.when(cid == 1)
    def _():
        pltpu.sync_copy(shared.at[pl.ds(sid * SLICE, SLICE)],
                        a1_hbm.at[pl.ds(sid * SLICE, SLICE)])


def _tc_transform(xpad, wt, d0, d1):
    def body(x_ref, wt_ref, d0_ref, d1_ref, y_ref):
        deg = d0_ref[...] + d1_ref[...] + 1.0
        dinv = lax.rsqrt(deg)
        xw = jnp.dot(x_ref[...], wt_ref[...],
                     preferred_element_type=f32)
        y_ref[...] = xw * dinv

    return pl.pallas_call(
        body,
        out_shape=jax.ShapeDtypeStruct((NPAD, D), f32),
    )(xpad, wt, d0, d1)


def _tc_finish(a0, a1, y, d0, d1, b2, t2, wt2):
    def body(a0_ref, a1_ref, y_ref, d0_ref, d1_ref, b_ref, t_ref, w_ref,
             o_ref):
        deg = d0_ref[...] + d1_ref[...] + 1.0
        dinv = lax.rsqrt(deg)
        s = (a0_ref[...] + a1_ref[...] + y_ref[...]) * dinv + b_ref[...]
        tf = jax.nn.sigmoid(t_ref[...] * w_ref[...])
        o_ref[...] = jnp.maximum(s, 0.0) * tf

    return pl.pallas_call(
        body,
        out_shape=jax.ShapeDtypeStruct((NPAD, D), f32),
    )(a0, a1, y, d0, d1, b2, t2, wt2)


def kernel(t, x, edge_index, W, b, W_time):
    xpad = jnp.concatenate(
        [x, jnp.zeros((NPAD - N, D), f32)], axis=0)
    src3d = edge_index[0].reshape(NW, ROWS_W, CHUNK)
    dst3d = edge_index[1].reshape(NW, ROWS_W, CHUNK)
    wt = W.T

    deg0, deg1 = _sc_degree(dst3d)
    d0 = deg0.reshape(NPAD, 1)
    d1 = deg1.reshape(NPAD, 1)

    y = _tc_transform(xpad, wt, d0, d1)

    a0, a1 = _sc_edges(src3d, dst3d, y)

    b2 = b.reshape(1, D)
    t2 = t.reshape(1, 1)
    wt2 = W_time.reshape(1, D)

    out = _tc_finish(a0, a1, y, d0, d1, b2, t2, wt2)
    return out[:N]

# --- scband reference (transcript-rebuilt; emitter-appended) ---
"""Pipeline reference for scband-gcnodefunc-57183194579702 (READ-ONLY COPY).

The authoritative reference and input builder live on the scoring server;
editing this copy changes nothing except your own understanding.
"""

import jax, jax.numpy as jnp
import numpy as np

N = 10000
E = 320000
D_IN = 128
D_OUT = 128


def setup_inputs(seed: int = 0) -> dict:
    key = jax.random.key(seed)
    ks = jax.random.split(key, 6)
    t = jax.random.uniform(ks[0], (1,), dtype=jnp.float32)
    x = jax.random.normal(ks[1], (N, D_IN), dtype=jnp.float32)
    edge_index = jax.random.randint(ks[2], (2, E), 0, N, dtype=jnp.int32)
    # GCNConv linear weight (out_dim, in_dim), glorot-ish scale, plus bias
    W = jax.random.normal(ks[3], (D_OUT, D_IN), dtype=jnp.float32) * (1.0 / np.sqrt(D_IN))
    b = jnp.zeros((D_OUT,), dtype=jnp.float32)
    # time_weights: nn.Linear(1, out_dim, bias=False) -> weight shape (out_dim, 1)
    W_time = jax.random.normal(ks[4], (D_OUT, 1), dtype=jnp.float32)
    return {"t": t, "x": x, "edge_index": edge_index, "W": W, "b": b, "W_time": W_time}


def reference(t, x, edge_index, W, b, W_time):
    n = x.shape[0]
    loop = jnp.arange(n, dtype=edge_index.dtype)
    # add self-loops (GCNConv default add_self_loops=True)
    src = jnp.concatenate([edge_index[0], loop])
    dst = jnp.concatenate([edge_index[1], loop])
    # symmetric normalization: deg computed over target nodes with unit edge weights
    deg = jnp.zeros((n,), dtype=x.dtype).at[dst].add(1.0)
    dinv = jnp.where(deg > 0, deg ** -0.5, 0.0)
    norm = dinv[src] * dinv[dst]
    # linear transform then message passing (scatter-add to dst)
    xw = x @ W.T
    msg = xw[src] * norm[:, None]
    agg = jnp.zeros((n, W.shape[0]), dtype=x.dtype).at[dst].add(msg) + b
    # time factor: sigmoid(Linear(1 -> out_dim)(t))
    tf = jax.nn.sigmoid(t.reshape(1, 1) @ W_time.T)
    return jax.nn.relu(agg) * tf

if __name__ == "__main__":
    import jax
    _d = setup_inputs()
    print(jax.jit(kernel)(*tuple(_d.values())))

</pallas_src>

<mosaic_0001>
#map = affine_map<(d0, d1) -> (0, 0, 0)>
#map1 = affine_map<(d0, d1) -> (0, 0)>
module attributes {stable_mosaic.version = 14 : i64} {
  func.func @_sc_edges(%arg0: i32, %arg1: i32, %arg2: memref<32x80x125xi32, #tpu.memory_space<hbm>>, %arg3: memref<32x80x125xi32, #tpu.memory_space<hbm>>, %arg4: memref<10240x128xf32, #tpu.memory_space<hbm>>, %arg5: memref<10240x128xf32, #tpu.memory_space<hbm>>, %arg6: memref<10240x128xf32, #tpu.memory_space<hbm>>, %arg7: memref<8x125xi32, #tpu.memory_space<vmem>>, %arg8: memref<8x125xi32, #tpu.memory_space<vmem>>, %arg9: memref<125x128xf32, #tpu.memory_space<vmem>>, %arg10: memref<10240x128xf32, #tpu.memory_space<vmem_shared>>, %arg11: memref<!tpu.dma_semaphore, #tpu.memory_space<semaphore_mem>>) attributes {dimension_semantics = [#tpu.dimension_semantics<core_parallel>, #tpu.dimension_semantics<subcore_parallel>], iteration_bounds = array<i64: 2, 16>, scalar_prefetch = 0 : i64, scratch_operands = 5 : i64, tpu.core_type = #tpu.core_type<sc_vector_subcore>, window_params = [{transform_indices = #map}, {transform_indices = #map}, {transform_indices = #map1}, {transform_indices = #map1}, {transform_indices = #map1}]} {
    %mul3A = arith.constant 2 : i32
    %mul3A_0 = arith.muli %arg1, %mul3A : i32
    %add3A = arith.addi %mul3A_0, %arg0 : i32
    %scan3A = arith.constant 0 : i32
    %scan3A_1 = arith.constant 0 : i32
    %scan3A_2 = arith.constant 640 : i32
    %scan3A_3 = arith.addi %scan3A_1, %scan3A_2 : i32
    %scan3A_4 = arith.constant 1 : i32
    scf.for %scan3A_26 = %scan3A_1 to %scan3A_3 step %scan3A_4  : i32 {
      %broadcast_in_dim3A = arith.constant 0.000000e+00 : f32
      %broadcast_in_dim3A_27 = vector.broadcast %broadcast_in_dim3A : f32 to vector<16xf32>
      %jit3A = arith.constant 8 : i32
      %div3A = arith.divsi %scan3A_26, %jit3A : i32
      %sign3A = arith.constant 0 : i32
      %sign3A_28 = arith.cmpi sgt, %scan3A_26, %sign3A : i32
      %sign3A_29 = arith.extui %sign3A_28 : i1 to i32
      %sign3A_30 = arith.constant 0 : i32
      %sign3A_31 = arith.cmpi slt, %scan3A_26, %sign3A_30 : i32
      %sign3A_32 = arith.extui %sign3A_31 : i1 to i32
      %sign3A_33 = arith.subi %sign3A_29, %sign3A_32 : i32
      %sign3A_34 = arith.constant 0 : i32
      %sign3A_35 = arith.cmpi sgt, %jit3A, %sign3A_34 : i32
      %sign3A_36 = arith.extui %sign3A_35 : i1 to i32
      %sign3A_37 = arith.constant 0 : i32
      %sign3A_38 = arith.cmpi slt, %jit3A, %sign3A_37 : i32
      %sign3A_39 = arith.extui %sign3A_38 : i1 to i32
      %sign3A_40 = arith.subi %sign3A_36, %sign3A_39 : i32
      %ne3A = arith.cmpi ne, %sign3A_33, %sign3A_40 : i32
      %rem3A = arith.remsi %scan3A_26, %jit3A : i32
      %ne3A_41 = arith.constant 0 : i32
      %ne3A_42 = arith.cmpi ne, %rem3A, %ne3A_41 : i32
      %and3A = arith.andi %ne3A, %ne3A_42 : i1
      %sub3A = arith.constant 1 : i32
      %sub3A_43 = arith.subi %div3A, %sub3A : i32
      %select_n3A = arith.select %and3A, %sub3A_43, %div3A : i32
      %jit3A_44 = arith.constant 8 : i32
      %eq3A_45 = arith.constant 0 : i32
      %eq3A_46 = arith.cmpi eq, %jit3A_44, %eq3A_45 : i32
      %jit3A_47 = arith.constant 1 : i32
      %select_n3A_48 = arith.select %eq3A_46, %jit3A_47, %jit3A_44 : i32
      %rem3A_49 = arith.remsi %scan3A_26, %select_n3A_48 : i32
      %ne3A_50 = arith.constant 0 : i32
      %ne3A_51 = arith.cmpi ne, %rem3A_49, %ne3A_50 : i32
      %lt3A = arith.constant 0 : i32
      %lt3A_52 = arith.cmpi slt, %rem3A_49, %lt3A : i32
      %lt3A_53 = arith.constant 0 : i32
      %lt3A_54 = arith.cmpi slt, %select_n3A_48, %lt3A_53 : i32
      %ne3A_55 = arith.xori %lt3A_52, %lt3A_54 : i1
      %and3A_56 = arith.andi %ne3A_55, %ne3A_51 : i1
      %add3A_57 = arith.addi %rem3A_49, %select_n3A_48 : i32
      %select_n3A_58 = arith.select %and3A_56, %add3A_57, %rem3A_49 : i32
      %mul3A_59 = arith.constant 16 : i32
      %mul3A_60 = arith.muli %select_n3A_58, %mul3A_59 : i32
      %swap3A = arith.index_cast %select_n3A : i32 to index
      %swap3A_61 = arith.index_cast %mul3A_60 : i32 to index
      %swap3A_62 = tpu.vector_load %arg9[%swap3A, %swap3A_61] {strides = array<i32>} : memref<125x128xf32, #tpu.memory_space<vmem>>, vector<1x16xf32>,
      %swap3A_63 = vector.shape_cast %swap3A_62 : vector<1x16xf32> to vector<16xf32>
      %swap3A_64 = vector.shape_cast %broadcast_in_dim3A_27 : vector<16xf32> to vector<1x16xf32>
      tpu.vector_store %arg9[%swap3A, %swap3A_61], %swap3A_64 {strides = array<i32>} : memref<125x128xf32, #tpu.memory_space<vmem>>, vector<1x16xf32>,
    }
    %scan3A_5 = arith.constant 640 : i32
    %scan3A_6 = arith.constant 0 : i32
    %scan3A_7 = arith.constant 0 : i32
    %scan3A_8 = arith.constant 8 : i32
    %scan3A_9 = arith.addi %scan3A_7, %scan3A_8 : i32
    %scan3A_10 = arith.constant 1 : i32
    scf.for %scan3A_26 = %scan3A_7 to %scan3A_9 step %scan3A_10  : i32 {
      %mul3A_27 = arith.constant 640 : i32
      %mul3A_28 = arith.muli %arg1, %mul3A_27 : i32
      %mul3A_29 = arith.constant 80 : i32
      %mul3A_30 = arith.muli %scan3A_26, %mul3A_29 : i32
      %add3A_31 = arith.addi %mul3A_28, %mul3A_30 : i32
      "tpu.region"() ({
        %run_scoped3A = tpu.sem_alloc : memref<!tpu.dma_semaphore, #tpu.memory_space<semaphore_mem>>
        %dma_start3A = arith.constant 0 : i32
        %dma_start3A_32 = arith.constant 0 : i32
        %dma_start3A_33 = tpu.memref_slice %arg9[%dma_start3A, %dma_start3A_32] : memref<125x128xf32, #tpu.memory_space<vmem>> -> memref<80x128xf32, #tpu.memory_space<vmem>>
        %dma_start3A_34 = arith.constant 0 : i32
        %dma_start3A_35 = tpu.memref_slice %arg10[%add3A_31, %dma_start3A_34] : memref<10240x128xf32, #tpu.memory_space<vmem_shared>> -> memref<80x128xf32, #tpu.memory_space<vmem_shared>>
        %dma_start3A_36 = arith.constant 0 : i32
        %dma_start3A_37 = tpu.memref_slice %arg10[%add3A_31, %dma_start3A_36] : memref<10240x128xf32, #tpu.memory_space<vmem_shared>> -> memref<80x128xf32, #tpu.memory_space<vmem_shared>>
        %dma_start3A_38 = arith.constant 0 : i32
        %dma_start3A_39 = arith.constant 0 : i32
        %dma_start3A_40 = tpu.memref_slice %arg9[%dma_start3A_38, %dma_start3A_39] : memref<125x128xf32, #tpu.memory_space<vmem>> -> memref<80x128xf32, #tpu.memory_space<vmem>>
        tpu.enqueue_dma source(%dma_start3A_40 : memref<80x128xf32, #tpu.memory_space<vmem>>) target(%dma_start3A_37 : memref<80x128xf32, #tpu.memory_space<vmem_shared>>) target_semaphore(%run_scoped3A : memref<!tpu.dma_semaphore, #tpu.memory_space<semaphore_mem>>)
        %dma_wait3A = arith.constant 0 : i32
        %dma_wait3A_41 = arith.constant 0 : i32
        %dma_wait3A_42 = tpu.memref_slice %arg9[%dma_wait3A, %dma_wait3A_41] : memref<125x128xf32, #tpu.memory_space<vmem>> -> memref<80x128xf32, #tpu.memory_space<vmem>>
        %dma_wait3A_43 = arith.constant 0 : i32
        %dma_wait3A_44 = tpu.memref_slice %arg10[%add3A_31, %dma_wait3A_43] : memref<10240x128xf32, #tpu.memory_space<vmem_shared>> -> memref<80x128xf32, #tpu.memory_space<vmem_shared>>
        %dma_wait3A_45 = arith.constant 0 : i32
        %dma_wait3A_46 = tpu.memref_slice %arg10[%add3A_31, %dma_wait3A_45] : memref<10240x128xf32, #tpu.memory_space<vmem_shared>> -> memref<80x128xf32, #tpu.memory_space<vmem_shared>>
        %dma_wait3A_47 = arith.constant 0 : i32
        %dma_wait3A_48 = arith.constant 0 : i32
        %dma_wait3A_49 = tpu.memref_slice %arg9[%dma_wait3A_47, %dma_wait3A_48] : memref<125x128xf32, #tpu.memory_space<vmem>> -> memref<80x128xf32, #tpu.memory_space<vmem>>
        tpu.wait_dma2 semaphore(%run_scoped3A : memref<!tpu.dma_semaphore, #tpu.memory_space<semaphore_mem>>) src(%dma_wait3A_49 : memref<80x128xf32, #tpu.memory_space<vmem>>) dst(%dma_wait3A_46 : memref<80x128xf32, #tpu.memory_space<vmem_shared>>)
        tpu.yield
      }) : () -> ()
    }
    %scan3A_11 = arith.constant 8 : i32
    %barrier3A = arith.constant 0 : index
    tpu.barrier barrier_id(%barrier3A)
    %scan3A_12 = arith.constant 0 : i32
    %scan3A_13 = arith.constant 0 : i32
    %scan3A_14 = arith.constant 10 : i32
    %scan3A_15 = arith.addi %scan3A_13, %scan3A_14 : i32
    %scan3A_16 = arith.constant 1 : i32
    scf.for %scan3A_26 = %scan3A_13 to %scan3A_15 step %scan3A_16  : i32 {
      %mul3A_27 = arith.constant 8 : i32
      %mul3A_28 = arith.muli %scan3A_26, %mul3A_27 : i32
      "tpu.region"() ({
        %run_scoped3A = tpu.sem_alloc : memref<!tpu.dma_semaphore, #tpu.memory_space<semaphore_mem>>
        %dma_start3A = arith.constant 0 : i32
        %dma_start3A_37 = tpu.memref_slice %arg2[%add3A, %mul3A_28, %dma_start3A] : memref<32x80x125xi32, #tpu.memory_space<hbm>> -> memref<1x8x125xi32, #tpu.memory_space<hbm>>
        %dma_start3A_38 = tpu.memref_squeeze %dma_start3A_37 : memref<1x8x125xi32, #tpu.memory_space<hbm>> -> memref<8x125xi32, #tpu.memory_space<hbm>>
        %dma_start3A_39 = arith.constant 0 : i32
        %dma_start3A_40 = tpu.memref_slice %arg2[%add3A, %mul3A_28, %dma_start3A_39] : memref<32x80x125xi32, #tpu.memory_space<hbm>> -> memref<1x8x125xi32, #tpu.memory_space<hbm>>
        %dma_start3A_41 = tpu.memref_squeeze %dma_start3A_40 : memref<1x8x125xi32, #tpu.memory_space<hbm>> -> memref<8x125xi32, #tpu.memory_space<hbm>>
        tpu.enqueue_dma source(%dma_start3A_41 : memref<8x125xi32, #tpu.memory_space<hbm>>) target(%arg7 : memref<8x125xi32, #tpu.memory_space<vmem>>) target_semaphore(%run_scoped3A : memref<!tpu.dma_semaphore, #tpu.memory_space<semaphore_mem>>)
        %dma_wait3A = arith.constant 0 : i32
        %dma_wait3A_42 = tpu.memref_slice %arg2[%add3A, %mul3A_28, %dma_wait3A] : memref<32x80x125xi32, #tpu.memory_space<hbm>> -> memref<1x8x125xi32, #tpu.memory_space<hbm>>
        %dma_wait3A_43 = tpu.memref_squeeze %dma_wait3A_42 : memref<1x8x125xi32, #tpu.memory_space<hbm>> -> memref<8x125xi32, #tpu.memory_space<hbm>>
        %dma_wait3A_44 = arith.constant 0 : i32
        %dma_wait3A_45 = tpu.memref_slice %arg2[%add3A, %mul3A_28, %dma_wait3A_44] : memref<32x80x125xi32, #tpu.memory_space<hbm>> -> memref<1x8x125xi32, #tpu.memory_space<hbm>>
        %dma_wait3A_46 = tpu.memref_squeeze %dma_wait3A_45 : memref<1x8x125xi32, #tpu.memory_space<hbm>> -> memref<8x125xi32, #tpu.memory_space<hbm>>
        tpu.wait_dma2 semaphore(%run_scoped3A : memref<!tpu.dma_semaphore, #tpu.memory_space<semaphore_mem>>) src(%dma_wait3A_46 : memref<8x125xi32, #tpu.memory_space<hbm>>) dst(%arg7 : memref<8x125xi32, #tpu.memory_space<vmem>>)
        tpu.yield
      }) : () -> ()
      %mul3A_29 = arith.constant 8 : i32
      %mul3A_30 = arith.muli %scan3A_26, %mul3A_29 : i32
      "tpu.region"() ({
        %run_scoped3A = tpu.sem_alloc : memref<!tpu.dma_semaphore, #tpu.memory_space<semaphore_mem>>
        %dma_start3A = arith.constant 0 : i32
        %dma_start3A_37 = tpu.memref_slice %arg3[%add3A, %mul3A_30, %dma_start3A] : memref<32x80x125xi32, #tpu.memory_space<hbm>> -> memref<1x8x125xi32, #tpu.memory_space<hbm>>
        %dma_start3A_38 = tpu.memref_squeeze %dma_start3A_37 : memref<1x8x125xi32, #tpu.memory_space<hbm>> -> memref<8x125xi32, #tpu.memory_space<hbm>>
        %dma_start3A_39 = arith.constant 0 : i32
        %dma_start3A_40 = tpu.memref_slice %arg3[%add3A, %mul3A_30, %dma_start3A_39] : memref<32x80x125xi32, #tpu.memory_space<hbm>> -> memref<1x8x125xi32, #tpu.memory_space<hbm>>
        %dma_start3A_41 = tpu.memref_squeeze %dma_start3A_40 : memref<1x8x125xi32, #tpu.memory_space<hbm>> -> memref<8x125xi32, #tpu.memory_space<hbm>>
        tpu.enqueue_dma source(%dma_start3A_41 : memref<8x125xi32, #tpu.memory_space<hbm>>) target(%arg8 : memref<8x125xi32, #tpu.memory_space<vmem>>) target_semaphore(%run_scoped3A : memref<!tpu.dma_semaphore, #tpu.memory_space<semaphore_mem>>)
        %dma_wait3A = arith.constant 0 : i32
        %dma_wait3A_42 = tpu.memref_slice %arg3[%add3A, %mul3A_30, %dma_wait3A] : memref<32x80x125xi32, #tpu.memory_space<hbm>> -> memref<1x8x125xi32, #tpu.memory_space<hbm>>
        %dma_wait3A_43 = tpu.memref_squeeze %dma_wait3A_42 : memref<1x8x125xi32, #tpu.memory_space<hbm>> -> memref<8x125xi32, #tpu.memory_space<hbm>>
        %dma_wait3A_44 = arith.constant 0 : i32
        %dma_wait3A_45 = tpu.memref_slice %arg3[%add3A, %mul3A_30, %dma_wait3A_44] : memref<32x80x125xi32, #tpu.memory_space<hbm>> -> memref<1x8x125xi32, #tpu.memory_space<hbm>>
        %dma_wait3A_46 = tpu.memref_squeeze %dma_wait3A_45 : memref<1x8x125xi32, #tpu.memory_space<hbm>> -> memref<8x125xi32, #tpu.memory_space<hbm>>
        tpu.wait_dma2 semaphore(%run_scoped3A : memref<!tpu.dma_semaphore, #tpu.memory_space<semaphore_mem>>) src(%dma_wait3A_46 : memref<8x125xi32, #tpu.memory_space<hbm>>) dst(%arg8 : memref<8x125xi32, #tpu.memory_space<vmem>>)
        tpu.yield
      }) : () -> ()
      %scan3A_31 = arith.constant 0 : i32
      %scan3A_32 = arith.constant 0 : i32
      %scan3A_33 = arith.constant 8 : i32
      %scan3A_34 = arith.addi %scan3A_32, %scan3A_33 : i32
      %scan3A_35 = arith.constant 1 : i32
      scf.for %scan3A_37 = %scan3A_32 to %scan3A_34 step %scan3A_35  : i32 {
        %dma_start3A = arith.constant 0 : i32
        %dma_start3A_38 = tpu.memref_slice %arg7[%scan3A_37, %dma_start3A] : memref<8x125xi32, #tpu.memory_space<vmem>> -> memref<1x125xi32, #tpu.memory_space<vmem>>
        %dma_start3A_39 = tpu.memref_squeeze %dma_start3A_38 : memref<1x125xi32, #tpu.memory_space<vmem>> -> memref<125xi32, #tpu.memory_space<vmem>>
        %dma_start3A_40 = arith.constant 0 : i32
        %dma_start3A_41 = arith.constant 0 : i32
        %dma_start3A_42 = tpu.memref_slice %arg4[%dma_start3A_40, %dma_start3A_41] : memref<10240x128xf32, #tpu.memory_space<hbm>> -> memref<10240x128xf32, #tpu.memory_space<hbm>>
        tpu.enqueue_indirect_dma source(%dma_start3A_42 : memref<10240x128xf32, #tpu.memory_space<hbm>>) target(%arg9 : memref<125x128xf32, #tpu.memory_space<vmem>>) offsets(%dma_start3A_39 : memref<125xi32, #tpu.memory_space<vmem>>) semaphore(%arg11 : memref<!tpu.dma_semaphore, #tpu.memory_space<semaphore_mem>>)
        %dma_wait3A = arith.constant 0 : i32
        %dma_wait3A_43 = tpu.memref_slice %arg7[%scan3A_37, %dma_wait3A] : memref<8x125xi32, #tpu.memory_space<vmem>> -> memref<1x125xi32, #tpu.memory_space<vmem>>
        %dma_wait3A_44 = tpu.memref_squeeze %dma_wait3A_43 : memref<1x125xi32, #tpu.memory_space<vmem>> -> memref<125xi32, #tpu.memory_space<vmem>>
        %dma_wait3A_45 = arith.constant 0 : i32
        %dma_wait3A_46 = arith.constant 0 : i32
        %dma_wait3A_47 = tpu.memref_slice %arg4[%dma_wait3A_45, %dma_wait3A_46] : memref<10240x128xf32, #tpu.memory_space<hbm>> -> memref<10240x128xf32, #tpu.memory_space<hbm>>
        tpu.wait_indirect_dma semaphore(%arg11 : memref<!tpu.dma_semaphore, #tpu.memory_space<semaphore_mem>>) src(%dma_wait3A_47 : memref<10240x128xf32, #tpu.memory_space<hbm>>) dst(%arg9 : memref<125x128xf32, #tpu.memory_space<vmem>>)
        "tpu.region"() ({
          %run_scoped3A = tpu.sem_alloc : memref<!tpu.dma_semaphore, #tpu.memory_space<semaphore_mem>>
          %dma_start3A_48 = arith.constant 0 : i32
          %dma_start3A_49 = tpu.memref_slice %arg8[%scan3A_37, %dma_start3A_48] : memref<8x125xi32, #tpu.memory_space<vmem>> -> memref<1x125xi32, #tpu.memory_space<vmem>>
          %dma_start3A_50 = tpu.memref_squeeze %dma_start3A_49 : memref<1x125xi32, #tpu.memory_space<vmem>> -> memref<125xi32, #tpu.memory_space<vmem>>
          %dma_start3A_51 = arith.constant 0 : i32
          %dma_start3A_52 = arith.constant 0 : i32
          %dma_start3A_53 = tpu.memref_slice %arg10[%dma_start3A_51, %dma_start3A_52] : memref<10240x128xf32, #tpu.memory_space<vmem_shared>> -> memref<10240x128xf32, #tpu.memory_space<vmem_shared>>
          tpu.enqueue_indirect_dma source(%arg9 : memref<125x128xf32, #tpu.memory_space<vmem>>) target(%dma_start3A_53 : memref<10240x128xf32, #tpu.memory_space<vmem_shared>>) offsets(%dma_start3A_50 : memref<125xi32, #tpu.memory_space<vmem>>) semaphore(%run_scoped3A : memref<!tpu.dma_semaphore, #tpu.memory_space<semaphore_mem>>) {add = true}
          %dma_wait3A_54 = arith.constant 0 : i32
          %dma_wait3A_55 = tpu.memref_slice %arg8[%scan3A_37, %dma_wait3A_54] : memref<8x125xi32, #tpu.memory_space<vmem>> -> memref<1x125xi32, #tpu.memory_space<vmem>>
          %dma_wait3A_56 = tpu.memref_squeeze %dma_wait3A_55 : memref<1x125xi32, #tpu.memory_space<vmem>> -> memref<125xi32, #tpu.memory_space<vmem>>
          %dma_wait3A_57 = arith.constant 0 : i32
          %dma_wait3A_58 = arith.constant 0 : i32
          %dma_wait3A_59 = tpu.memref_slice %arg10[%dma_wait3A_57, %dma_wait3A_58] : memref<10240x128xf32, #tpu.memory_space<vmem_shared>> -> memref<10240x128xf32, #tpu.memory_space<vmem_shared>>
          tpu.wait_indirect_dma semaphore(%run_scoped3A : memref<!tpu.dma_semaphore, #tpu.memory_space<semaphore_mem>>) src(%arg9 : memref<125x128xf32, #tpu.memory_space<vmem>>) dst(%dma_wait3A_59 : memref<10240x128xf32, #tpu.memory_space<vmem_shared>>)
          tpu.yield
        }) : () -> ()
      }
      %scan3A_36 = arith.constant 8 : i32
    }
    %scan3A_17 = arith.constant 10 : i32
    %barrier3A_18 = arith.constant 0 : index
    tpu.barrier barrier_id(%barrier3A_18)
    %eq3A = arith.constant 0 : i32
    %eq3A_19 = arith.cmpi eq, %arg0, %eq3A : i32
    %convert_element_type3A = arith.extui %eq3A_19 : i1 to i32
    %cond3A = arith.constant 0 : i32
    %cond3A_20 = arith.cmpi ne, %convert_element_type3A, %cond3A : i32
    scf.if %cond3A_20 {
      %mul3A_26 = arith.constant 640 : i32
      %mul3A_27 = arith.muli %arg1, %mul3A_26 : i32
      %mul3A_28 = arith.constant 640 : i32
      %mul3A_29 = arith.muli %arg1, %mul3A_28 : i32
      "tpu.region"() ({
        %run_scoped3A = tpu.sem_alloc : memref<!tpu.dma_semaphore, #tpu.memory_space<semaphore_mem>>
        %dma_start3A = arith.constant 0 : i32
        %dma_start3A_30 = tpu.memref_slice %arg5[%mul3A_29, %dma_start3A] : memref<10240x128xf32, #tpu.memory_space<hbm>> -> memref<640x128xf32, #tpu.memory_space<hbm>>
        %dma_start3A_31 = arith.constant 0 : i32
        %dma_start3A_32 = tpu.memref_slice %arg10[%mul3A_27, %dma_start3A_31] : memref<10240x128xf32, #tpu.memory_space<vmem_shared>> -> memref<640x128xf32, #tpu.memory_space<vmem_shared>>
        tpu.enqueue_dma source(%dma_start3A_32 : memref<640x128xf32, #tpu.memory_space<vmem_shared>>) target(%dma_start3A_30 : memref<640x128xf32, #tpu.memory_space<hbm>>) target_semaphore(%run_scoped3A : memref<!tpu.dma_semaphore, #tpu.memory_space<semaphore_mem>>)
        %dma_wait3A = arith.constant 0 : i32
        %dma_wait3A_33 = tpu.memref_slice %arg5[%mul3A_29, %dma_wait3A] : memref<10240x128xf32, #tpu.memory_space<hbm>> -> memref<640x128xf32, #tpu.memory_space<hbm>>
        %dma_wait3A_34 = arith.constant 0 : i32
        %dma_wait3A_35 = tpu.memref_slice %arg10[%mul3A_27, %dma_wait3A_34] : memref<10240x128xf32, #tpu.memory_space<vmem_shared>> -> memref<640x128xf32, #tpu.memory_space<vmem_shared>>
        tpu.wait_dma2 semaphore(%run_scoped3A : memref<!tpu.dma_semaphore, #tpu.memory_space<semaphore_mem>>) src(%dma_wait3A_35 : memref<640x128xf32, #tpu.memory_space<vmem_shared>>) dst(%dma_wait3A_33 : memref<640x128xf32, #tpu.memory_space<hbm>>)
        tpu.yield
      }) : () -> ()
    } else {
    }
    %eq3A_21 = arith.constant 1 : i32
    %eq3A_22 = arith.cmpi eq, %arg0, %eq3A_21 : i32
    %convert_element_type3A_23 = arith.extui %eq3A_22 : i1 to i32
    %cond3A_24 = arith.constant 0 : i32
    %cond3A_25 = arith.cmpi ne, %convert_element_type3A_23, %cond3A_24 : i32
    scf.if %cond3A_25 {
      %mul3A_26 = arith.constant 640 : i32
      %mul3A_27 = arith.muli %arg1, %mul3A_26 : i32
      %mul3A_28 = arith.constant 640 : i32
      %mul3A_29 = arith.muli %arg1, %mul3A_28 : i32
      "tpu.region"() ({
        %run_scoped3A = tpu.sem_alloc : memref<!tpu.dma_semaphore, #tpu.memory_space<semaphore_mem>>
        %dma_start3A = arith.constant 0 : i32
        %dma_start3A_30 = tpu.memref_slice %arg6[%mul3A_29, %dma_start3A] : memref<10240x128xf32, #tpu.memory_space<hbm>> -> memref<640x128xf32, #tpu.memory_space<hbm>>
        %dma_start3A_31 = arith.constant 0 : i32
        %dma_start3A_32 = tpu.memref_slice %arg10[%mul3A_27, %dma_start3A_31] : memref<10240x128xf32, #tpu.memory_space<vmem_shared>> -> memref<640x128xf32, #tpu.memory_space<vmem_shared>>
        tpu.enqueue_dma source(%dma_start3A_32 : memref<640x128xf32, #tpu.memory_space<vmem_shared>>) target(%dma_start3A_30 : memref<640x128xf32, #tpu.memory_space<hbm>>) target_semaphore(%run_scoped3A : memref<!tpu.dma_semaphore, #tpu.memory_space<semaphore_mem>>)
        %dma_wait3A = arith.constant 0 : i32
        %dma_wait3A_33 = tpu.memref_slice %arg6[%mul3A_29, %dma_wait3A] : memref<10240x128xf32, #tpu.memory_space<hbm>> -> memref<640x128xf32, #tpu.memory_space<hbm>>
        %dma_wait3A_34 = arith.constant 0 : i32
        %dma_wait3A_35 = tpu.memref_slice %arg10[%mul3A_27, %dma_wait3A_34] : memref<10240x128xf32, #tpu.memory_space<vmem_shared>> -> memref<640x128xf32, #tpu.memory_space<vmem_shared>>
        tpu.wait_dma2 semaphore(%run_scoped3A : memref<!tpu.dma_semaphore, #tpu.memory_space<semaphore_mem>>) src(%dma_wait3A_35 : memref<640x128xf32, #tpu.memory_space<vmem_shared>>) dst(%dma_wait3A_33 : memref<640x128xf32, #tpu.memory_space<hbm>>)
        tpu.yield
      }) : () -> ()
    } else {
    }
    return
  }
}

#map = affine_map<(d0, d1) -> (0, 0, 0)>
#map1 = affine_map<(d0, d1) -> (0)>
module attributes {stable_mosaic.version = 14 : i64} {
  func.func @_sc_degree(%arg0: i32, %arg1: i32, %arg2: memref<32x80x125xi32, #tpu.memory_space<hbm>>, %arg3: memref<10240xf32, #tpu.memory_space<hbm>>, %arg4: memref<10240xf32, #tpu.memory_space<hbm>>, %arg5: memref<80x125xi32, #tpu.memory_space<vmem>>, %arg6: memref<640xf32, #tpu.memory_space<vmem>>, %arg7: memref<10240xf32, #tpu.memory_space<vmem_shared>>) attributes {dimension_semantics = [#tpu.dimension_semantics<core_parallel>, #tpu.dimension_semantics<subcore_parallel>], iteration_bounds = array<i64: 2, 16>, scalar_prefetch = 0 : i64, scratch_operands = 3 : i64, tpu.core_type = #tpu.core_type<sc_vector_subcore>, window_params = [{transform_indices = #map}, {transform_indices = #map1}, {transform_indices = #map1}]} {
    %mul3A = arith.constant 2 : i32
    %mul3A_0 = arith.muli %arg1, %mul3A : i32
    %add3A = arith.addi %mul3A_0, %arg0 : i32
    %scan3A = arith.constant 0 : i32
    %scan3A_1 = arith.constant 0 : i32
    %scan3A_2 = arith.constant 40 : i32
    %scan3A_3 = arith.addi %scan3A_1, %scan3A_2 : i32
    %scan3A_4 = arith.constant 1 : i32
    scf.for %scan3A_28 = %scan3A_1 to %scan3A_3 step %scan3A_4  : i32 {
      %broadcast_in_dim3A = arith.constant 0.000000e+00 : f32
      %broadcast_in_dim3A_29 = vector.broadcast %broadcast_in_dim3A : f32 to vector<16xf32>
      %mul3A_30 = arith.constant 16 : i32
      %mul3A_31 = arith.muli %scan3A_28, %mul3A_30 : i32
      %swap3A = arith.index_cast %mul3A_31 : i32 to index
      %swap3A_32 = tpu.vector_load %arg6[%swap3A] {strides = array<i32>} : memref<640xf32, #tpu.memory_space<vmem>>, vector<16xf32>,
      %swap3A_33 = vector.shape_cast %swap3A_32 : vector<16xf32> to vector<16xf32>
      %swap3A_34 = vector.shape_cast %broadcast_in_dim3A_29 : vector<16xf32> to vector<16xf32>
      tpu.vector_store %arg6[%swap3A], %swap3A_34 {strides = array<i32>} : memref<640xf32, #tpu.memory_space<vmem>>, vector<16xf32>,
    }
    %scan3A_5 = arith.constant 40 : i32
    %mul3A_6 = arith.constant 640 : i32
    %mul3A_7 = arith.muli %arg1, %mul3A_6 : i32
    "tpu.region"() ({
      %run_scoped3A = tpu.sem_alloc : memref<!tpu.dma_semaphore, #tpu.memory_space<semaphore_mem>>
      %dma_start3A = tpu.memref_slice %arg7[%mul3A_7] : memref<10240xf32, #tpu.memory_space<vmem_shared>> -> memref<640xf32, #tpu.memory_space<vmem_shared>>
      %dma_start3A_28 = tpu.memref_slice %arg7[%mul3A_7] : memref<10240xf32, #tpu.memory_space<vmem_shared>> -> memref<640xf32, #tpu.memory_space<vmem_shared>>
      tpu.enqueue_dma source(%arg6 : memref<640xf32, #tpu.memory_space<vmem>>) target(%dma_start3A_28 : memref<640xf32, #tpu.memory_space<vmem_shared>>) target_semaphore(%run_scoped3A : memref<!tpu.dma_semaphore, #tpu.memory_space<semaphore_mem>>)
      %dma_wait3A = tpu.memref_slice %arg7[%mul3A_7] : memref<10240xf32, #tpu.memory_space<vmem_shared>> -> memref<640xf32, #tpu.memory_space<vmem_shared>>
      %dma_wait3A_29 = tpu.memref_slice %arg7[%mul3A_7] : memref<10240xf32, #tpu.memory_space<vmem_shared>> -> memref<640xf32, #tpu.memory_space<vmem_shared>>
      tpu.wait_dma2 semaphore(%run_scoped3A : memref<!tpu.dma_semaphore, #tpu.memory_space<semaphore_mem>>) src(%arg6 : memref<640xf32, #tpu.memory_space<vmem>>) dst(%dma_wait3A_29 : memref<640xf32, #tpu.memory_space<vmem_shared>>)
      tpu.yield
    }) : () -> ()
    %barrier3A = arith.constant 0 : index
    tpu.barrier barrier_id(%barrier3A)
    %scan3A_8 = arith.constant 0 : i32
    %scan3A_9 = arith.constant 0 : i32
    %scan3A_10 = arith.constant 10 : i32
    %scan3A_11 = arith.addi %scan3A_9, %scan3A_10 : i32
    %scan3A_12 = arith.constant 1 : i32
    scf.for %scan3A_28 = %scan3A_9 to %scan3A_11 step %scan3A_12  : i32 {
      %broadcast_in_dim3A = arith.constant 1.000000e+00 : f32
      %broadcast_in_dim3A_29 = vector.broadcast %broadcast_in_dim3A : f32 to vector<16xf32>
      %mul3A_30 = arith.constant 16 : i32
      %mul3A_31 = arith.muli %scan3A_28, %mul3A_30 : i32
      %swap3A = arith.index_cast %mul3A_31 : i32 to index
      %swap3A_32 = tpu.vector_load %arg6[%swap3A] {strides = array<i32>} : memref<640xf32, #tpu.memory_space<vmem>>, vector<16xf32>,
      %swap3A_33 = vector.shape_cast %swap3A_32 : vector<16xf32> to vector<16xf32>
      %swap3A_34 = vector.shape_cast %broadcast_in_dim3A_29 : vector<16xf32> to vector<16xf32>
      tpu.vector_store %arg6[%swap3A], %swap3A_34 {strides = array<i32>} : memref<640xf32, #tpu.memory_space<vmem>>, vector<16xf32>,
    }
    %scan3A_13 = arith.constant 10 : i32
    "tpu.region"() ({
      %run_scoped3A = tpu.sem_alloc : memref<!tpu.dma_semaphore, #tpu.memory_space<semaphore_mem>>
      %dma_start3A = arith.constant 0 : i32
      %dma_start3A_28 = arith.constant 0 : i32
      %dma_start3A_29 = tpu.memref_slice %arg2[%add3A, %dma_start3A, %dma_start3A_28] : memref<32x80x125xi32, #tpu.memory_space<hbm>> -> memref<1x80x125xi32, #tpu.memory_space<hbm>>
      %dma_start3A_30 = tpu.memref_squeeze %dma_start3A_29 : memref<1x80x125xi32, #tpu.memory_space<hbm>> -> memref<80x125xi32, #tpu.memory_space<hbm>>
      %dma_start3A_31 = arith.constant 0 : i32
      %dma_start3A_32 = arith.constant 0 : i32
      %dma_start3A_33 = tpu.memref_slice %arg2[%add3A, %dma_start3A_31, %dma_start3A_32] : memref<32x80x125xi32, #tpu.memory_space<hbm>> -> memref<1x80x125xi32, #tpu.memory_space<hbm>>
      %dma_start3A_34 = tpu.memref_squeeze %dma_start3A_33 : memref<1x80x125xi32, #tpu.memory_space<hbm>> -> memref<80x125xi32, #tpu.memory_space<hbm>>
      tpu.enqueue_dma source(%dma_start3A_34 : memref<80x125xi32, #tpu.memory_space<hbm>>) target(%arg5 : memref<80x125xi32, #tpu.memory_space<vmem>>) target_semaphore(%run_scoped3A : memref<!tpu.dma_semaphore, #tpu.memory_space<semaphore_mem>>)
      %dma_wait3A = arith.constant 0 : i32
      %dma_wait3A_35 = arith.constant 0 : i32
      %dma_wait3A_36 = tpu.memref_slice %arg2[%add3A, %dma_wait3A, %dma_wait3A_35] : memref<32x80x125xi32, #tpu.memory_space<hbm>> -> memref<1x80x125xi32, #tpu.memory_space<hbm>>
      %dma_wait3A_37 = tpu.memref_squeeze %dma_wait3A_36 : memref<1x80x125xi32, #tpu.memory_space<hbm>> -> memref<80x125xi32, #tpu.memory_space<hbm>>
      %dma_wait3A_38 = arith.constant 0 : i32
      %dma_wait3A_39 = arith.constant 0 : i32
      %dma_wait3A_40 = tpu.memref_slice %arg2[%add3A, %dma_wait3A_38, %dma_wait3A_39] : memref<32x80x125xi32, #tpu.memory_space<hbm>> -> memref<1x80x125xi32, #tpu.memory_space<hbm>>
      %dma_wait3A_41 = tpu.memref_squeeze %dma_wait3A_40 : memref<1x80x125xi32, #tpu.memory_space<hbm>> -> memref<80x125xi32, #tpu.memory_space<hbm>>
      tpu.wait_dma2 semaphore(%run_scoped3A : memref<!tpu.dma_semaphore, #tpu.memory_space<semaphore_mem>>) src(%dma_wait3A_41 : memref<80x125xi32, #tpu.memory_space<hbm>>) dst(%arg5 : memref<80x125xi32, #tpu.memory_space<vmem>>)
      tpu.yield
    }) : () -> ()
    %scan3A_14 = arith.constant 0 : i32
    %scan3A_15 = arith.constant 0 : i32
    %scan3A_16 = arith.constant 80 : i32
    %scan3A_17 = arith.addi %scan3A_15, %scan3A_16 : i32
    %scan3A_18 = arith.constant 1 : i32
    scf.for %scan3A_28 = %scan3A_15 to %scan3A_17 step %scan3A_18  : i32 {
      "tpu.region"() ({
        %run_scoped3A = tpu.sem_alloc : memref<!tpu.dma_semaphore, #tpu.memory_space<semaphore_mem>>
        %dma_start3A = arith.constant 0 : i32
        %dma_start3A_29 = tpu.memref_slice %arg6[%dma_start3A] : memref<640xf32, #tpu.memory_space<vmem>> -> memref<125xf32, #tpu.memory_space<vmem>>
        %dma_start3A_30 = arith.constant 0 : i32
        %dma_start3A_31 = tpu.memref_slice %arg5[%scan3A_28, %dma_start3A_30] : memref<80x125xi32, #tpu.memory_space<vmem>> -> memref<1x125xi32, #tpu.memory_space<vmem>>
        %dma_start3A_32 = tpu.memref_squeeze %dma_start3A_31 : memref<1x125xi32, #tpu.memory_space<vmem>> -> memref<125xi32, #tpu.memory_space<vmem>>
        %dma_start3A_33 = arith.constant 0 : i32
        %dma_start3A_34 = tpu.memref_slice %arg7[%dma_start3A_33] : memref<10240xf32, #tpu.memory_space<vmem_shared>> -> memref<10240xf32, #tpu.memory_space<vmem_shared>>
        tpu.enqueue_indirect_dma source(%dma_start3A_29 : memref<125xf32, #tpu.memory_space<vmem>>) target(%dma_start3A_34 : memref<10240xf32, #tpu.memory_space<vmem_shared>>) offsets(%dma_start3A_32 : memref<125xi32, #tpu.memory_space<vmem>>) semaphore(%run_scoped3A : memref<!tpu.dma_semaphore, #tpu.memory_space<semaphore_mem>>) {add = true}
        %dma_wait3A = arith.constant 0 : i32
        %dma_wait3A_35 = tpu.memref_slice %arg6[%dma_wait3A] : memref<640xf32, #tpu.memory_space<vmem>> -> memref<125xf32, #tpu.memory_space<vmem>>
        %dma_wait3A_36 = arith.constant 0 : i32
        %dma_wait3A_37 = tpu.memref_slice %arg5[%scan3A_28, %dma_wait3A_36] : memref<80x125xi32, #tpu.memory_space<vmem>> -> memref<1x125xi32, #tpu.memory_space<vmem>>
        %dma_wait3A_38 = tpu.memref_squeeze %dma_wait3A_37 : memref<1x125xi32, #tpu.memory_space<vmem>> -> memref<125xi32, #tpu.memory_space<vmem>>
        %dma_wait3A_39 = arith.constant 0 : i32
        %dma_wait3A_40 = tpu.memref_slice %arg7[%dma_wait3A_39] : memref<10240xf32, #tpu.memory_space<vmem_shared>> -> memref<10240xf32, #tpu.memory_space<vmem_shared>>
        tpu.wait_indirect_dma semaphore(%run_scoped3A : memref<!tpu.dma_semaphore, #tpu.memory_space<semaphore_mem>>) src(%dma_wait3A_35 : memref<125xf32, #tpu.memory_space<vmem>>) dst(%dma_wait3A_40 : memref<10240xf32, #tpu.memory_space<vmem_shared>>)
        tpu.yield
      }) : () -> ()
    }
    %scan3A_19 = arith.constant 80 : i32
    %barrier3A_20 = arith.constant 0 : index
    tpu.barrier barrier_id(%barrier3A_20)
    %eq3A = arith.constant 0 : i32
    %eq3A_21 = arith.cmpi eq, %arg0, %eq3A : i32
    %convert_element_type3A = arith.extui %eq3A_21 : i1 to i32
    %cond3A = arith.constant 0 : i32
    %cond3A_22 = arith.cmpi ne, %convert_element_type3A, %cond3A : i32
    scf.if %cond3A_22 {
      %mul3A_28 = arith.constant 640 : i32
      %mul3A_29 = arith.muli %arg1, %mul3A_28 : i32
      %mul3A_30 = arith.constant 640 : i32
      %mul3A_31 = arith.muli %arg1, %mul3A_30 : i32
      "tpu.region"() ({
        %run_scoped3A = tpu.sem_alloc : memref<!tpu.dma_semaphore, #tpu.memory_space<semaphore_mem>>
        %dma_start3A = tpu.memref_slice %arg3[%mul3A_31] : memref<10240xf32, #tpu.memory_space<hbm>> -> memref<640xf32, #tpu.memory_space<hbm>>
        %dma_start3A_32 = tpu.memref_slice %arg7[%mul3A_29] : memref<10240xf32, #tpu.memory_space<vmem_shared>> -> memref<640xf32, #tpu.memory_space<vmem_shared>>
        tpu.enqueue_dma source(%dma_start3A_32 : memref<640xf32, #tpu.memory_space<vmem_shared>>) target(%dma_start3A : memref<640xf32, #tpu.memory_space<hbm>>) target_semaphore(%run_scoped3A : memref<!tpu.dma_semaphore, #tpu.memory_space<semaphore_mem>>)
        %dma_wait3A = tpu.memref_slice %arg3[%mul3A_31] : memref<10240xf32, #tpu.memory_space<hbm>> -> memref<640xf32, #tpu.memory_space<hbm>>
        %dma_wait3A_33 = tpu.memref_slice %arg7[%mul3A_29] : memref<10240xf32, #tpu.memory_space<vmem_shared>> -> memref<640xf32, #tpu.memory_space<vmem_shared>>
        tpu.wait_dma2 semaphore(%run_scoped3A : memref<!tpu.dma_semaphore, #tpu.memory_space<semaphore_mem>>) src(%dma_wait3A_33 : memref<640xf32, #tpu.memory_space<vmem_shared>>) dst(%dma_wait3A : memref<640xf32, #tpu.memory_space<hbm>>)
        tpu.yield
      }) : () -> ()
    } else {
    }
    %eq3A_23 = arith.constant 1 : i32
    %eq3A_24 = arith.cmpi eq, %arg0, %eq3A_23 : i32
    %convert_element_type3A_25 = arith.extui %eq3A_24 : i1 to i32
    %cond3A_26 = arith.constant 0 : i32
    %cond3A_27 = arith.cmpi ne, %convert_element_type3A_25, %cond3A_26 : i32
    scf.if %cond3A_27 {
      %mul3A_28 = arith.constant 640 : i32
      %mul3A_29 = arith.muli %arg1, %mul3A_28 : i32
      %mul3A_30 = arith.constant 640 : i32
      %mul3A_31 = arith.muli %arg1, %mul3A_30 : i32
      "tpu.region"() ({
        %run_scoped3A = tpu.sem_alloc : memref<!tpu.dma_semaphore, #tpu.memory_space<semaphore_mem>>
        %dma_start3A = tpu.memref_slice %arg4[%mul3A_31] : memref<10240xf32, #tpu.memory_space<hbm>> -> memref<640xf32, #tpu.memory_space<hbm>>
        %dma_start3A_32 = tpu.memref_slice %arg7[%mul3A_29] : memref<10240xf32, #tpu.memory_space<vmem_shared>> -> memref<640xf32, #tpu.memory_space<vmem_shared>>
        tpu.enqueue_dma source(%dma_start3A_32 : memref<640xf32, #tpu.memory_space<vmem_shared>>) target(%dma_start3A : memref<640xf32, #tpu.memory_space<hbm>>) target_semaphore(%run_scoped3A : memref<!tpu.dma_semaphore, #tpu.memory_space<semaphore_mem>>)
        %dma_wait3A = tpu.memref_slice %arg4[%mul3A_31] : memref<10240xf32, #tpu.memory_space<hbm>> -> memref<640xf32, #tpu.memory_space<hbm>>
        %dma_wait3A_33 = tpu.memref_slice %arg7[%mul3A_29] : memref<10240xf32, #tpu.memory_space<vmem_shared>> -> memref<640xf32, #tpu.memory_space<vmem_shared>>
        tpu.wait_dma2 semaphore(%run_scoped3A : memref<!tpu.dma_semaphore, #tpu.memory_space<semaphore_mem>>) src(%dma_wait3A_33 : memref<640xf32, #tpu.memory_space<vmem_shared>>) dst(%dma_wait3A : memref<640xf32, #tpu.memory_space<hbm>>)
        tpu.yield
      }) : () -> ()
    } else {
    }
    return
  }
}

module attributes {stable_mosaic.version = 14 : i64} {
  func.func @body(%arg0: memref<10240x128xf32, #tpu.memory_space<vmem>>, %arg1: memref<128x128xf32, #tpu.memory_space<vmem>>, %arg2: memref<10240x1xf32, #tpu.memory_space<vmem>>, %arg3: memref<10240x1xf32, #tpu.memory_space<vmem>>, %arg4: memref<10240x128xf32, #tpu.memory_space<vmem>>) attributes {dimension_semantics = [], scalar_prefetch = 0 : i64, scratch_operands = 0 : i64, tpu.core_type = #tpu.core_type<tc>} {
    %get3A = arith.constant 0 : index
    %get3A_0 = arith.constant 0 : index
    %get3A_1 = vector.load %arg2[%get3A, %get3A_0] : memref<10240x1xf32, #tpu.memory_space<vmem>>, vector<10240x1xf32>
    %get3A_2 = arith.constant 0 : index
    %get3A_3 = arith.constant 0 : index
    %get3A_4 = vector.load %arg3[%get3A_2, %get3A_3] : memref<10240x1xf32, #tpu.memory_space<vmem>>, vector<10240x1xf32>
    %add3A = arith.addf %get3A_1, %get3A_4 : vector<10240x1xf32>
    %add3A_5 = arith.constant 1.000000e+00 : f32
    %add3A_6 = vector.broadcast %add3A_5 : f32 to vector<10240x1xf32>
    %add3A_7 = arith.addf %add3A, %add3A_6 : vector<10240x1xf32>
    %rsqrt3A = math.rsqrt %add3A_7 : vector<10240x1xf32>
    %get3A_8 = arith.constant 0 : index
    %get3A_9 = arith.constant 0 : index
    %get3A_10 = vector.load %arg0[%get3A_8, %get3A_9] : memref<10240x128xf32, #tpu.memory_space<vmem>>, vector<10240x128xf32>
    %get3A_11 = arith.constant 0 : index
    %get3A_12 = arith.constant 0 : index
    %get3A_13 = vector.load %arg1[%get3A_11, %get3A_12] : memref<128x128xf32, #tpu.memory_space<vmem>>, vector<128x128xf32>
    %dot_general3A = arith.constant dense<0.000000e+00> : vector<10240x128xf32>
    %dot_general3A_14 = tpu.matmul %get3A_10, %get3A_13, %dot_general3A {dimension_numbers = #tpu.dot_dimension_numbers<[1], [0], [0], [1], [0, 0, 1, 1], [], []>, transpose_lhs_hint = false} : vector<10240x128xf32>, vector<128x128xf32>, vector<10240x128xf32> -> vector<10240x128xf32>
    %mul3A = vector.broadcast %rsqrt3A : vector<10240x1xf32> to vector<10240x128xf32>
    %mul3A_15 = arith.mulf %dot_general3A_14, %mul3A : vector<10240x128xf32>
    %swap3A = arith.constant 0 : index
    %swap3A_16 = arith.constant 0 : index
    %swap3A_17 = vector.load %arg4[%swap3A, %swap3A_16] : memref<10240x128xf32, #tpu.memory_space<vmem>>, vector<10240x128xf32>
    tpu.vector_store %arg4[%swap3A, %swap3A_16], %mul3A_15 {strides = array<i32>} : memref<10240x128xf32, #tpu.memory_space<vmem>>, vector<10240x128xf32>,
    return
  }
}

module attributes {stable_mosaic.version = 14 : i64} {
  func.func @body(%arg0: memref<10240x128xf32, #tpu.memory_space<vmem>>, %arg1: memref<10240x128xf32, #tpu.memory_space<vmem>>, %arg2: memref<10240x128xf32, #tpu.memory_space<vmem>>, %arg3: memref<10240x1xf32, #tpu.memory_space<vmem>>, %arg4: memref<10240x1xf32, #tpu.memory_space<vmem>>, %arg5: memref<1x128xf32, #tpu.memory_space<vmem>>, %arg6: memref<1x1xf32, #tpu.memory_space<vmem>>, %arg7: memref<1x128xf32, #tpu.memory_space<vmem>>, %arg8: memref<10240x128xf32, #tpu.memory_space<vmem>>) attributes {dimension_semantics = [], scalar_prefetch = 0 : i64, scratch_operands = 0 : i64, tpu.core_type = #tpu.core_type<tc>} {
    %get3A = arith.constant 0 : index
    %get3A_0 = arith.constant 0 : index
    %get3A_1 = vector.load %arg3[%get3A, %get3A_0] : memref<10240x1xf32, #tpu.memory_space<vmem>>, vector<10240x1xf32>
    %get3A_2 = arith.constant 0 : index
    %get3A_3 = arith.constant 0 : index
    %get3A_4 = vector.load %arg4[%get3A_2, %get3A_3] : memref<10240x1xf32, #tpu.memory_space<vmem>>, vector<10240x1xf32>
    %add3A = arith.addf %get3A_1, %get3A_4 : vector<10240x1xf32>
    %add3A_5 = arith.constant 1.000000e+00 : f32
    %add3A_6 = vector.broadcast %add3A_5 : f32 to vector<10240x1xf32>
    %add3A_7 = arith.addf %add3A, %add3A_6 : vector<10240x1xf32>
    %rsqrt3A = math.rsqrt %add3A_7 : vector<10240x1xf32>
    %get3A_8 = arith.constant 0 : index
    %get3A_9 = arith.constant 0 : index
    %get3A_10 = vector.load %arg0[%get3A_8, %get3A_9] : memref<10240x128xf32, #tpu.memory_space<vmem>>, vector<10240x128xf32>
    %get3A_11 = arith.constant 0 : index
    %get3A_12 = arith.constant 0 : index
    %get3A_13 = vector.load %arg1[%get3A_11, %get3A_12] : memref<10240x128xf32, #tpu.memory_space<vmem>>, vector<10240x128xf32>
    %add3A_14 = arith.addf %get3A_10, %get3A_13 : vector<10240x128xf32>
    %get3A_15 = arith.constant 0 : index
    %get3A_16 = arith.constant 0 : index
    %get3A_17 = vector.load %arg2[%get3A_15, %get3A_16] : memref<10240x128xf32, #tpu.memory_space<vmem>>, vector<10240x128xf32>
    %add3A_18 = arith.addf %add3A_14, %get3A_17 : vector<10240x128xf32>
    %mul3A = vector.broadcast %rsqrt3A : vector<10240x1xf32> to vector<10240x128xf32>
    %mul3A_19 = arith.mulf %add3A_18, %mul3A : vector<10240x128xf32>
    %get3A_20 = arith.constant 0 : index
    %get3A_21 = arith.constant 0 : index
    %get3A_22 = vector.load %arg5[%get3A_20, %get3A_21] : memref<1x128xf32, #tpu.memory_space<vmem>>, vector<1x128xf32>
    %add3A_23 = vector.broadcast %get3A_22 : vector<1x128xf32> to vector<10240x128xf32>
    %add3A_24 = arith.addf %mul3A_19, %add3A_23 : vector<10240x128xf32>
    %get3A_25 = arith.constant 0 : index
    %get3A_26 = arith.constant 0 : index
    %get3A_27 = vector.load %arg6[%get3A_25, %get3A_26] : memref<1x1xf32, #tpu.memory_space<vmem>>, vector<1x1xf32>
    %get3A_28 = arith.constant 0 : index
    %get3A_29 = arith.constant 0 : index
    %get3A_30 = vector.load %arg7[%get3A_28, %get3A_29] : memref<1x128xf32, #tpu.memory_space<vmem>>, vector<1x128xf32>
    %mul3A_31 = vector.broadcast %get3A_27 : vector<1x1xf32> to vector<1x128xf32>
    %mul3A_32 = arith.mulf %mul3A_31, %get3A_30 : vector<1x128xf32>
    %logistic3A = arith.negf %mul3A_32 : vector<1x128xf32>
    %logistic3A_33 = math.exp %logistic3A : vector<1x128xf32>
    %logistic3A_34 = arith.constant 1.000000e+00 : f32
    %logistic3A_35 = vector.broadcast %logistic3A_34 : f32 to vector<1x128xf32>
    %logistic3A_36 = arith.addf %logistic3A_35, %logistic3A_33 : vector<1x128xf32>
    %logistic3A_37 = arith.divf %logistic3A_35, %logistic3A_36 : vector<1x128xf32>
    %max3A = arith.constant 0.000000e+00 : f32
    %max3A_38 = vector.broadcast %max3A : f32 to vector<10240x128xf32>
    %max3A_39 = arith.maximumf %add3A_24, %max3A_38 : vector<10240x128xf32>
    %mul3A_40 = vector.broadcast %logistic3A_37 : vector<1x128xf32> to vector<10240x128xf32>
    %mul3A_41 = arith.mulf %max3A_39, %mul3A_40 : vector<10240x128xf32>
    %swap3A = arith.constant 0 : index
    %swap3A_42 = arith.constant 0 : index
    %swap3A_43 = vector.load %arg8[%swap3A, %swap3A_42] : memref<10240x128xf32, #tpu.memory_space<vmem>>, vector<10240x128xf32>
    tpu.vector_store %arg8[%swap3A, %swap3A_42], %mul3A_41 {strides = array<i32>} : memref<10240x128xf32, #tpu.memory_space<vmem>>, vector<10240x128xf32>,
    return
  }
}

</mosaic_0001>

<sc_bundles>
// kernel: kernel.6.cloned.1.call-start
scs
__scs_entry_jumppad:
0x0: {  	(pc) =	sbr.rel $0x88, $3  }
0x1: {  	(tag) =	ssettag $0x0;
	lr =	simm.s32 $0x1  }
0x2: {  	[smem:$0x3F9B] =	sst lr;
	_ =	strace $0xD0000000  }
0x3: {  	_ = 	snop  }
0x4: {  	_ = 	snop  }
0x5: {  	_ = 	snop  }
0x6: {  	_ = 	snop  }
0x7: {  	_ = 	snop  }
__scs_overlays_trampoline_lowered:
0x8: {  	[smem:$0x3FAA] =	sst s0  }
0x9: {  	[smem:$0x3FAB] =	sst s1  }
0xa: {  	[smem:$0x3FAC] =	sst s2  }
0xb: {  	[smem:$0x3FAD] =	sst s3  }
0xc: {  	[smem:$0x3FAE] =	sst s4  }
0xd: {  	[smem:$0x3FAF] =	sst s5  }
0xe: {  	[smem:$0x3FB0] =	sst s6  }
0xf: {  	[smem:$0x3FB1] =	sst s7  }
0x10: {  	[smem:$0x3FB2] =	sst s8  }
0x11: {  	[smem:$0x3FB3] =	sst s9;
	s0 =	simm.s32 @!p0 $0x0  }
0x12: {  	s1 =	sld [smem:$0x3F99];
	s0 =	simm.s32 @p0 $0x1  }
0x13: {  	[smem:$0x3FB4] =	sst s0;
	s0 =	simm.s32 @!p1 $0x0  }
0x14: {  	s2 =	sld [smem:$0x3F98];
	s0 =	simm.s32 @p1 $0x1  }
0x15: {  	[smem:$0x3FB5] =	sst s0;
	s0 =	simm.s32 @!p2 $0x0  }
0x16: {  	s3 =	sld [smem:$0x3FDB];
	s0 =	simm.s32 @p2 $0x1  }
0x17: {  	s4 =	simm.s32 $0x1BF5;
	[smem:$0x3FB7] =	sst s0  }
0x18: {  	s0 =	sld [smem:$0x3F9A];
	_ =	swait.ge [sflag:s4], $0x0  }
0x19: {  	s7 =	sld [smem:$0x3F9B]  }
0x1a: {  	s8 =	sadd.s32 $0xFFFFE003, lr  }
0x1b: {  	s9 =	sadd.s32 $0xFFFFFEF7, lr;
	s5 =	simm.s32 $0xFFFFFFFF;
	p2 =	slt.u32 s8, $0xFFFFF086  }
0x1c: {  	p1 =	slt.u32 s9, $0xF7A;
	s5 =	simm.s32 @!p2 $0x0  }
0x1d: {  	s5 =	simm.s32 @p1 $0x1;
	p0 =	seq.s32 s7, s2  }
0x1e: {  	s7 =	smul.u32 @!p0 $0xF7A, s2;
	p2 =	seq.s32 @!p0 s5, $0x0  }
0x1f: {  	s9 =	smul.u32 $0xF7A, s1;
	s8 =	simm.s32 @!p0 $0x1BF5;
	p2 =	por !p2, p0  }
0x20: {  	[sflag:s8] =	ssyncset.s32 @!p0 $0xFFFFF086;
	s6 =	sadd.s32 @!p0 s3, s7;
	s7 =	simm.s32 @!p0 $0x108  }
0x21: {  	s3 =	sadd.s32 s3, s9;
	s6 =	sadd.s32 @!p0 $0x88, s6;
	s7 =	simm.s32 @p2 $0x1082  }
0x22: {  	[simem:s7], [sflag:s8] =	dma.local @!p0 [hbm:s6], $0xF7A  }
0x23: {  	s9 =	sor.u32 $0xD0000000, s2;
	s6 =	simm.s32 $0x108;
	_ =	swait.ge @!p0 [sflag:s8], $0x0  }
0x24: {  	s3 =	sadd.s32 $0x88, s3;
	s6 =	simm.s32 @!p1 $0x1082;
	[sflag:s4] =	ssyncset.s32 $0xFFFFF086  }
0x25: {  	[simem:s6], [sflag:s4] =	dma.local [hbm:s3], $0xF7A  }
0x26: {  	[smem:$0x3F9B] =	sst s1;
	(tag) =	ssettag s2;
	_ =	strace s9  }
0x27: {  	s1 =	sld [smem:$0x3FAB]  }
0x28: {  	s2 =	sld [smem:$0x3FAC]  }
0x29: {  	s4 =	sld [smem:$0x3FAE]  }
0x2a: {  	p0 =	seq.s32 s5, $0x0;
	s5 =	sld [smem:$0x3FAF]  }
0x2b: {  	s6 =	sld [smem:$0x3FB0]  }
0x2c: {  	s7 =	sld [smem:$0x3FB1]  }
0x2d: {  	s3 =	simm.s32 $0x108;
	s8 =	sld [smem:$0x3FB2]  }
0x2e: {  	s3 =	simm.s32 @!p0 $0x1082;
	s9 =	sld [smem:$0x3FB3]  }
0x2f: {  	lr =	sadd.s32 s0, s3;
	s0 =	sld [smem:$0x3FAA]  }
0x30: {  	s3 =	sld [smem:$0x3FAD]  }
0x31: {  	[smem:$0x3FB6] =	sst s10  }
0x32: {  	s10 =	sld [smem:$0x3FB4];
	_ =	sdelay $0x3  }
0x33: {  	p0 =	seq.s32 s10, $0x1;
	s10 =	sld [smem:$0x3FB6];
	_ =	sdelay $0x3  }
0x34: {  	[smem:$0x3FB6] =	sst s10  }
0x35: {  	s10 =	sld [smem:$0x3FB5];
	_ =	sdelay $0x3  }
0x36: {  	p1 =	seq.s32 s10, $0x1;
	s10 =	sld [smem:$0x3FB6];
	_ =	sdelay $0x3  }
0x37: {  	[smem:$0x3FB6] =	sst s10  }
0x38: {  	s10 =	sld [smem:$0x3FB7]  }
0x39: {  	_ = 	snop;
	(pc) =	sbr.ind lr, $3  }
0x3a: {  	_ = 	snop  }
0x3b: {  	_ = 	snop  }
0x3c: {  	p2 =	seq.s32 s10, $0x1;
	s10 =	sld [smem:$0x3FB6]  }
0x3d: {  	_ =	shalt  }
0x3e: {  	_ =	shalt  }
0x3f: {  	_ =	shalt  }
0x40: {  	_ =	shalt  }
0x41: {  	_ =	shalt  }
0x42: {  	_ =	shalt  }
0x43: {  	_ =	shalt  }
0x44: {  	_ =	shalt  }
0x45: {  	_ =	shalt  }
0x46: {  	_ =	shalt  }
0x47: {  	_ =	shalt  }
0x48: {  	_ =	shalt  }
0x49: {  	_ =	shalt  }
0x4a: {  	_ =	shalt  }
0x4b: {  	_ =	shalt  }
0x4c: {  	_ =	shalt  }
0x4d: {  	_ =	shalt  }
0x4e: {  	_ =	shalt  }
0x4f: {  	_ =	shalt  }
0x50: {  	_ =	shalt  }
0x51: {  	_ =	shalt  }
0x52: {  	_ =	shalt  }
0x53: {  	_ =	shalt  }
0x54: {  	_ =	shalt  }
0x55: {  	_ =	shalt  }
0x56: {  	_ =	shalt  }
0x57: {  	_ =	shalt  }
0x58: {  	_ =	shalt  }
0x59: {  	_ =	shalt  }
0x5a: {  	_ =	shalt  }
0x5b: {  	_ =	shalt  }
0x5c: {  	_ =	shalt  }
0x5d: {  	_ =	shalt  }
0x5e: {  	_ =	shalt  }
0x5f: {  	_ =	shalt  }
0x60: {  	_ =	shalt  }
0x61: {  	_ =	shalt  }
0x62: {  	_ =	shalt  }
0x63: {  	_ =	shalt  }
0x64: {  	_ =	shalt  }
0x65: {  	_ =	shalt  }
0x66: {  	_ =	shalt  }
0x67: {  	_ =	shalt  }
0x68: {  	_ =	shalt  }
0x69: {  	_ =	shalt  }
0x6a: {  	_ =	shalt  }
0x6b: {  	_ =	shalt  }
0x6c: {  	_ =	shalt  }
0x6d: {  	_ =	shalt  }
0x6e: {  	_ =	shalt  }
0x6f: {  	_ =	shalt  }
0x70: {  	_ =	shalt  }
0x71: {  	_ =	shalt  }
0x72: {  	_ =	shalt  }
0x73: {  	_ =	shalt  }
0x74: {  	_ =	shalt  }
0x75: {  	_ =	shalt  }
0x76: {  	_ =	shalt  }
0x77: {  	_ =	shalt  }
0x78: {  	_ =	shalt  }
0x79: {  	_ =	shalt  }
0x7a: {  	_ =	shalt  }
0x7b: {  	_ =	shalt  }
0x7c: {  	_ =	shalt  }
0x7d: {  	_ =	shalt  }
0x7e: {  	_ =	shalt  }
0x7f: {  	_ =	shalt  }
0x80: {  	_ =	shalt  }
0x81: {  	_ =	shalt  }
0x82: {  	_ =	shalt  }
0x83: {  	_ =	shalt  }
0x84: {  	_ =	shalt  }
0x85: {  	_ =	shalt  }
0x86: {  	_ =	shalt  }
0x87: {  	_ =	shalt  }
.Lfunc_end0:
.L_simem_size_0:
called_computation_lowered:
.L_overlay_start_0:
0x88: {  	s2 =	sld [smem:$0x3FD9]  }
0x89: {  	s3 =	sld [smem:$0x3FFE];
	_ =	sdelay $0x1  }
0x8a: {  	s1 =	srdreg.scid  }
0x8b: {  	s0 =	sand.u32 $0x1, s1  }
0x8c: {  	s16 =	sshll.u32 s0, $0xA;
	s2 =	sadd.s32 s3, s2  }
0x8d: {  	s2 =	sadd.s32 s2, s16  }
0x8e: {  	[smem:$0x3FC2] =	sst s2  }
0x8f: {  	_ = 	snop  }
0x90: {  	(tm) =	ssettm $0x1  }
0x91: {  	s17 =	sld [smem:$0x3FFB];
	_ =	sdelay $0x3  }
0x92: {  	_ =	strace s17  }
0x93: {  	s2 =	sld [smem:$0x3FFC];
	_ =	sdelay $0x3  }
0x94: {  	_ =	strace s2  }
0x95: {  	s2 =	sld [smem:$0x3FFD];
	_ =	sdelay $0x3  }
0x96: {  	_ =	strace s2  }
0x97: {  	_ =	strace $0x8FFFFFFF  }
0x98: {  	s18 =	sld [smem:$0x3FDB];
	_ =	sdelay $0x1  }
0x99: {  	s19 =	simm.s32 $_scs_section_size  }
0x9a: {  	s4 =	simm.s32 $_size__tile_overlayer_lowered;
	s5 =	simm.s32 $_tile_overlayer_lowered  }
0x9b: {  	s22 =	simm.s32 $0x1BFF;
	s21 =	sshll.u32 s5, $0x1;
	s2 =	sadd.s32 s19, s18  }
0x9c: {  	s6 =	simm.s32 $0x0;
	s20 =	sshll.u32 s4, $0x1;
	s4 =	sadd.s32 s21, s2  }
0x9d: {  	[timem:s6], [sflag:s22] =	dma.local [hbm:s4], s20  }
0x9e: {  	_ =	swait.ge [sflag:s22], s20  }
0x9f: {  	s3 =	ssub.s32 $0x0, s20;
	[sflag:s22] =	ssyncset.done $0x0  }
0xa0: {  	[sflag:s22] =	ssyncadd.s32 s3;
	_ =	sdelay $0x1  }
0xa1: {  	s23 =	simm.s32 $0x1B8B  }
0xa2: {  	_ =	swait.ge [sflag:s23], $0x1  }
0xa3: {  	[sflag:s23] =	ssyncset.done $0x0  }
0xa4: {  	s25 =	simm.s32 $0x1B8E;
	s24 =	sld [smem:$0x3FFE];
	[sflag:s23] =	ssyncadd.s32 $0xFFFFFFFF  }
0xa5: {  	s26 =	simm.s32 $execute0_lowered;
	[smem:$0x3FD2] =	sst s25  }
0xa6: {  	s4 =	sshll.u32 s26, $0x1;
	_ =	strace $0x80000046;
	[dreg:$0x1] =	wrdreg $0xFFFFFFFF  }
0xa7: {  	s28 =	simm.s32 $_size_execute0_lowered;
	s2 =	sadd.s32 s2, s4;
	[dreg:$0x0] =	wrdreg $0x0  }
0xa8: {  	s4 =	sshll.u32 s28, $0x1;
	[dreg:$0x2] =	wrdreg s2  }
0xa9: {  	[dreg:$0x3] =	wrdreg s4  }
0xaa: {  	[dreg:$0x4] =	wrdreg $0xC0  }
0xab: {  	_ =	task [dreg:s6], $0x5FFFF  }
0xac: {  	[dreg:$0x1] =	wrdreg $0xFFFFFFFF  }
0xad: {  	[dreg:$0x0] =	wrdreg $0x60  }
0xae: {  	[dreg:$0x2] =	wrdreg s24  }
0xaf: {  	[dreg:$0x3] =	wrdreg $0x2A800  }
0xb0: {  	[dreg:$0x4] =	wrdreg $0x9  }
0xb1: {  	_ =	task.clear_ibuf [dreg:s6], $0x5FFFF;
	_ =	strace $0x90000046  }
0xb2: {  	s29 =	simm.s32 $0x9;
	_ =	strace $0x80000048  }
0xb3: {  	_ =	swait.ge [sflag:s29], $0x1  }
0xb4: {  	[sflag:s29] =	ssyncadd.s32 $0xFFFFFFFF  }
0xb5: {  	_ =	strace $0x90000048  }
0xb6: {  	_ =	sfence  }
0xb7: {  	s30 =	sld [smem:$0x0];
	_ =	sdelay $0x2  }
0xb8: {  	s31 =	sshll.u32 s1, $0xD;
	s1 =	sshrl.u32 s1, $0x2  }
0xb9: {  	s3 =	sand.u32 $0x4000, s31;
	s1 =	sadd.s32 s1, s30  }
0xba: {  	s0 =	sor.u32 s3, s0;
	s1 =	sshll.u32 s1, $0x11  }
0xbb: {  	s0 =	sor.u32 s1, s0  }
0xbc: {  	s0 =	sadd.s32 $0x8F2B, s0  }
0xbd: {  	[sflag:s0] =	ssyncadd.remote.s32 $0x1  }
0xbe: {  	_ =	sfence.sel $0xFFFF  }
0xbf: {  	[dreg:$0x0] =	wrdreg $0xFFFFFFFF;
	(pc) =	sbr.abs _section_cstart, $3  }
0xc0: {  	[dreg:$0x1] =	wrdreg $0xFFFFFFFF  }
0xc1: {  	_ =	task.clear_ibuf [dreg:s6], $0x2FFFF;
	_ =	strace $0x9FFFFFFF  }
0xc2: {  	(tm) =	ssettm $0x7FFFFFFF  }
0xc3: {  	_ =	shalt  }
tec
execute0_lowered:
.L_overlay_start_1:
0x0: {  	(tag) =	ssettag $0x1  }
0x1: {  	s6 =	rddreg [dreg:$0x0]  }
0x2: {  	s1 =	srdreg.scid;
	s0 =	stileid.u32  }
0x3: {  	s2 =	rddreg [dreg:$0x1];
	s3 =	simm.s32 $0x0;
	s10 =	simm.s32 $0xC400  }
0x4: {  	s13 =	simm.s32 $0x0;
	s4 =	sand.u32 $0x1, s1;
	s1 =	rddreg [dreg:$0x2]  }
0x5: {  	s5 =	sshll.u32 s0, $0x1;
	[smem:$0x7FF] =	sst s3;
	s8 =	smul.u32 $0x280, s0  }
0x6: {  	s11 =	sshll.u32 s0, $0x6;
	s5 =	sor.u32 s4, s5;
	_ =	strace $0x80000047  }
0x7: {  	s7 =	ssub.s32 $0x2, s4;
	p0 =	seq.s32 s4, $0x1;
	s11 =	sor.u32 $0x1C01, s11  }
0x8: {  	s5 =	smul.u32 $0x500, s5;
	s9 =	sshrl.u32 s7, $0x1;
	s4 =	sadd.s32 s8, s2  }
0x9: {  	s10 =	simm.s32 @!p0 $0xCA00;
	s8 =	sshrl.u32 s8, $0x3;
	s7 =	ssub.s32 s7, s9  }
0xa: {  	s31 =	sadd.s32 s10, s6;
	s9 =	simm.s32 $0x1;
	s10 =	simm.s32 $0x7D  }
0xb: {  	s12 =	sshrl.u32 s4, $0x3;
	s5 =	sadd.s32 s5, s6;
	s6 =	smax.u32 s7, $0x1  }
0xc: {  	v0 =	vimm.f32 $0.0e+00;
	v1 =	vimm.f32 $1.000000000e+00;
	s7 =	sadd.s32 s31, s8;
	s8 =	simm.s32 $0x2800;
	s5 =	sadd.s32 $0x2400, s5  }
.LBB2_1:
0xd: {  	[tilespmem:$0x2800] =	vst v0  }
0xe: {  	[tilespmem:$0x2810] =	vst v0  }
0xf: {  	[tilespmem:$0x2820] =	vst v0  }
0x10: {  	[tilespmem:$0x2830] =	vst v0  }
0x11: {  	[tilespmem:$0x2840] =	vst v0  }
0x12: {  	[tilespmem:$0x2850] =	vst v0  }
0x13: {  	[tilespmem:$0x2860] =	vst v0  }
0x14: {  	[tilespmem:$0x2870] =	vst v0  }
0x15: {  	[tilespmem:$0x2880] =	vst v0  }
0x16: {  	[tilespmem:$0x2890] =	vst v0  }
0x17: {  	[tilespmem:$0x28A0] =	vst v0  }
0x18: {  	[tilespmem:$0x28B0] =	vst v0  }
0x19: {  	[tilespmem:$0x28C0] =	vst v0  }
0x1a: {  	[tilespmem:$0x28D0] =	vst v0  }
0x1b: {  	[tilespmem:$0x28E0] =	vst v0  }
0x1c: {  	[tilespmem:$0x28F0] =	vst v0  }
0x1d: {  	[tilespmem:$0x2900] =	vst v0  }
0x1e: {  	[tilespmem:$0x2910] =	vst v0  }
0x1f: {  	[tilespmem:$0x2920] =	vst v0  }
0x20: {  	[tilespmem:$0x2930] =	vst v0  }
0x21: {  	[tilespmem:$0x2940] =	vst v0  }
0x22: {  	[tilespmem:$0x2950] =	vst v0  }
0x23: {  	[tilespmem:$0x2960] =	vst v0  }
0x24: {  	[tilespmem:$0x2970] =	vst v0  }
0x25: {  	[tilespmem:$0x2980] =	vst v0  }
0x26: {  	[tilespmem:$0x2990] =	vst v0  }
0x27: {  	[tilespmem:$0x29A0] =	vst v0  }
0x28: {  	[tilespmem:$0x29B0] =	vst v0  }
0x29: {  	[tilespmem:$0x29C0] =	vst v0  }
0x2a: {  	[tilespmem:$0x29D0] =	vst v0  }
0x2b: {  	[tilespmem:$0x29E0] =	vst v0  }
0x2c: {  	[tilespmem:$0x29F0] =	vst v0  }
0x2d: {  	[tilespmem:$0x2A00] =	vst v0  }
0x2e: {  	[tilespmem:$0x2A10] =	vst v0  }
0x2f: {  	[tilespmem:$0x2A20] =	vst v0  }
0x30: {  	[tilespmem:$0x2A30] =	vst v0  }
0x31: {  	[tilespmem:$0x2A40] =	vst v0  }
0x32: {  	[tilespmem:$0x2A50] =	vst v0  }
0x33: {  	[tilespmem:$0x2A60] =	vst v0  }
0x34: {  	[tilespmem:$0x2A70] =	vst v0  }
0x35: {  	[spmem:s4] =	stream.linear.scatter [tilespmem:s8], [sflag:$0x1], $0x280, $0x38;
	[tilespmem:$0x2D00] =	vst v63  }
0x36: {  	_ =	swait.ge [sflag:s9], $0x280  }
0x37: {  	[sflag:s9] =	ssyncset.done $0x0  }
0x38: {  	[sflag:s9] =	ssyncadd.s32 $0xFFFFFD80  }
0x39: {  	[bflag:$0x0] =	sbarrier.arrive $0xFFFF  }
0x3a: {  	[tilespmem:$0x2800] =	vst v1  }
0x3b: {  	[tilespmem:$0x2810] =	vst v1  }
0x3c: {  	[tilespmem:$0x2820] =	vst v1  }
0x3d: {  	[tilespmem:$0x2830] =	vst v1  }
0x3e: {  	[tilespmem:$0x2840] =	vst v1  }
0x3f: {  	[tilespmem:$0x2850] =	vst v1  }
0x40: {  	[tilespmem:$0x2860] =	vst v1  }
0x41: {  	[tilespmem:$0x2870] =	vst v1  }
0x42: {  	[tilespmem:$0x2880] =	vst v1  }
0x43: {  	[tilespmem:$0x2890] =	vst v1  }
0x44: {  	[tilespmem:s3], [sflag:$0x1] =	stream.linear.gather [hbm4b:s5+s3], $0x2800, $0x38;
	[tilespmem:$0x2D00] =	vst v63  }
0x45: {  	_ =	swait.ge [sflag:s9], $0x2800  }
0x46: {  	[sflag:s9] =	ssyncset.done $0x0  }
0x47: {  	s14 =	simm.s32 $0x0;
	[sflag:s9] =	ssyncadd.s32 $0xFFFFD800  }
0x48: {  	[spmem:s2] =	stream.indirect.scatter.add.f32 [tilespmem:s8], [sflag:$0x1], $0x1, s14, s10, $0xb8;
	[tilespmem:$0x2D00] =	vst v63  }
0x49: {  	_ =	swait.ge [sflag:s9], $0x7D  }
0x4a: {  	s14 =	simm.s32 $0x200;
	[sflag:s9] =	ssyncset.done $0x0  }
.LBB2_2:
0x4b: {  	s15 =	sshra.s32 s14, $0x2;
	[sflag:s9] =	ssyncadd.s32 $0xFFFFFF83;
	p0 =	sne.s32 s14, $0x9E00  }
0x4c: {  	[spmem:s2] =	stream.indirect.scatter.add.f32 [tilespmem:s8], [sflag:$0x1], $0x1, s15, s10, $0xb8;
	[tilespmem:$0x2D00] =	vst v63  }
.Ltmp0:
0x4d: {  	_ = 	snop;
	(pc) =	sbr.rel @p0 .LBB2_2-.Ltmp0, $4  }
0x4e: {  	_ = 	snop  }
0x4f: {  	s14 =	sadd.s32 $0x200, s14  }
0x50: {  	_ =	swait.ge [sflag:s9], $0x7D  }
0x51: {  	[sflag:s9] =	ssyncset.done $0x0  }
0x52: {  	s13 =	sadd.s32 $0x1, s13  }
0x53: {  	[sflag:s9] =	ssyncadd.s32 $0xFFFFFF83;
	p0 =	sne.s32 s13, s6  }
.Ltmp1:
0x54: {  	[bflag:$0x0] =	sbarrier.arrive $0xFFFF;
	(pc) =	sbr.rel @p0 .LBB2_1-.Ltmp1, $4  }
0x55: {  	[hbm:s7], [sflag:s11] =	dma.local [spmem:s12], $0x50  }
0x56: {  	_ =	swait.ge [sflag:s9], $0x50  }
0x57: {  	[sflag:s9] =	ssyncset.done $0x0  }
0x58: {  	[sflag:s9] =	ssyncadd.s32 $0xFFFFFFB0  }
0x59: {  	_ =	sfence.sel $0x180000  }
0x5a: {  	[bflag:$0x0] =	sbarrier.arrive $0xFFFF  }
0x5b: {  	p0 =	sne.s32 s0, $0x0;
	_ =	strace $0x90000047  }
0x5c: {  	s0 =	sadd.s32 @!p0 $0x100000, s1;
	[bflag:$0x2] =	sbarrier.arrive $0xFFFF  }
0x5d: {  	[sflag:s0] =	ssyncadd.tile.s32 @!p0 $0x1;
	_ =	shalt  }
.Lfunc_end2:
_tile_overlayer_lowered:
.L_overlay_start_2:
0x5e: {  	(tag) =	ssettag $0x2  }
0x5f: {  	s0 =	rddreg [dreg:$0x0];
	s2 =	stileid.u32  }
0x60: {  	s1 =	rddreg [dreg:$0x1];
	p0 =	sne.s32 s2, $0x0  }
0x61: {  	s3 =	rddreg [dreg:$0x2];
	[bflag:$0x3] =	sbarrier.arrive $0xFFFF;
	s2 =	simm.s32 @!p0 $0x1C01  }
0x62: {  	[timem:s3], [sflag:s2] =	dma.local @!p0 [hbm:s0], s1  }
0x63: {  	s0 =	simm.s32 @!p0 $0x1  }
0x64: {  	_ =	swait.ge @!p0 [sflag:s0], s1  }
0x65: {  	s1 =	ssub.s32 @!p0 $0x0, s1;
	[sflag:s0] =	ssyncset.done @!p0 $0x0  }
0x66: {  	[sflag:s0] =	ssyncadd.s32 @!p0 s1  }
0x67: {  	[bflag:$0x3] =	sbarrier.arrive $0xFFFF  }
0x68: {  	_ =	shalt  }

// kernel: kernel.9.cloned.1.call-start
scs
__scs_entry_jumppad:
0x0: {  	(pc) =	sbr.rel $0x88, $3  }
0x1: {  	(tag) =	ssettag $0x0;
	lr =	simm.s32 $0x1  }
0x2: {  	[smem:$0x3F9B] =	sst lr;
	_ =	strace $0xD0000000  }
0x3: {  	_ = 	snop  }
0x4: {  	_ = 	snop  }
0x5: {  	_ = 	snop  }
0x6: {  	_ = 	snop  }
0x7: {  	_ = 	snop  }
__scs_overlays_trampoline_lowered:
0x8: {  	[smem:$0x3FAA] =	sst s0  }
0x9: {  	[smem:$0x3FAB] =	sst s1  }
0xa: {  	[smem:$0x3FAC] =	sst s2  }
0xb: {  	[smem:$0x3FAD] =	sst s3  }
0xc: {  	[smem:$0x3FAE] =	sst s4  }
0xd: {  	[smem:$0x3FAF] =	sst s5  }
0xe: {  	[smem:$0x3FB0] =	sst s6  }
0xf: {  	[smem:$0x3FB1] =	sst s7  }
0x10: {  	[smem:$0x3FB2] =	sst s8  }
0x11: {  	[smem:$0x3FB3] =	sst s9;
	s0 =	simm.s32 @!p0 $0x0  }
0x12: {  	s1 =	sld [smem:$0x3F99];
	s0 =	simm.s32 @p0 $0x1  }
0x13: {  	[smem:$0x3FB4] =	sst s0;
	s0 =	simm.s32 @!p1 $0x0  }
0x14: {  	s2 =	sld [smem:$0x3F98];
	s0 =	simm.s32 @p1 $0x1  }
0x15: {  	[smem:$0x3FB5] =	sst s0;
	s0 =	simm.s32 @!p2 $0x0  }
0x16: {  	s3 =	sld [smem:$0x3FDB];
	s0 =	simm.s32 @p2 $0x1  }
0x17: {  	s4 =	simm.s32 $0x1BF5;
	[smem:$0x3FB7] =	sst s0  }
0x18: {  	s0 =	sld [smem:$0x3F9A];
	_ =	swait.ge [sflag:s4], $0x0  }
0x19: {  	s7 =	sld [smem:$0x3F9B]  }
0x1a: {  	s8 =	sadd.s32 $0xFFFFE003, lr  }
0x1b: {  	s9 =	sadd.s32 $0xFFFFFEF7, lr;
	s5 =	simm.s32 $0xFFFFFFFF;
	p2 =	slt.u32 s8, $0xFFFFF086  }
0x1c: {  	p1 =	slt.u32 s9, $0xF7A;
	s5 =	simm.s32 @!p2 $0x0  }
0x1d: {  	s5 =	simm.s32 @p1 $0x1;
	p0 =	seq.s32 s7, s2  }
0x1e: {  	s7 =	smul.u32 @!p0 $0xF7A, s2;
	p2 =	seq.s32 @!p0 s5, $0x0  }
0x1f: {  	s9 =	smul.u32 $0xF7A, s1;
	s8 =	simm.s32 @!p0 $0x1BF5;
	p2 =	por !p2, p0  }
0x20: {  	[sflag:s8] =	ssyncset.s32 @!p0 $0xFFFFF086;
	s6 =	sadd.s32 @!p0 s3, s7;
	s7 =	simm.s32 @!p0 $0x108  }
0x21: {  	s3 =	sadd.s32 s3, s9;
	s6 =	sadd.s32 @!p0 $0x88, s6;
	s7 =	simm.s32 @p2 $0x1082  }
0x22: {  	[simem:s7], [sflag:s8] =	dma.local @!p0 [hbm:s6], $0xF7A  }
0x23: {  	s9 =	sor.u32 $0xD0000000, s2;
	s6 =	simm.s32 $0x108;
	_ =	swait.ge @!p0 [sflag:s8], $0x0  }
0x24: {  	s3 =	sadd.s32 $0x88, s3;
	s6 =	simm.s32 @!p1 $0x1082;
	[sflag:s4] =	ssyncset.s32 $0xFFFFF086  }
0x25: {  	[simem:s6], [sflag:s4] =	dma.local [hbm:s3], $0xF7A  }
0x26: {  	[smem:$0x3F9B] =	sst s1;
	(tag) =	ssettag s2;
	_ =	strace s9  }
0x27: {  	s1 =	sld [smem:$0x3FAB]  }
0x28: {  	s2 =	sld [smem:$0x3FAC]  }
0x29: {  	s4 =	sld [smem:$0x3FAE]  }
0x2a: {  	p0 =	seq.s32 s5, $0x0;
	s5 =	sld [smem:$0x3FAF]  }
0x2b: {  	s6 =	sld [smem:$0x3FB0]  }
0x2c: {  	s7 =	sld [smem:$0x3FB1]  }
0x2d: {  	s3 =	simm.s32 $0x108;
	s8 =	sld [smem:$0x3FB2]  }
0x2e: {  	s3 =	simm.s32 @!p0 $0x1082;
	s9 =	sld [smem:$0x3FB3]  }
0x2f: {  	lr =	sadd.s32 s0, s3;
	s0 =	sld [smem:$0x3FAA]  }
0x30: {  	s3 =	sld [smem:$0x3FAD]  }
0x31: {  	[smem:$0x3FB6] =	sst s10  }
0x32: {  	s10 =	sld [smem:$0x3FB4];
	_ =	sdelay $0x3  }
0x33: {  	p0 =	seq.s32 s10, $0x1;
	s10 =	sld [smem:$0x3FB6];
	_ =	sdelay $0x3  }
0x34: {  	[smem:$0x3FB6] =	sst s10  }
0x35: {  	s10 =	sld [smem:$0x3FB5];
	_ =	sdelay $0x3  }
0x36: {  	p1 =	seq.s32 s10, $0x1;
	s10 =	sld [smem:$0x3FB6];
	_ =	sdelay $0x3  }
0x37: {  	[smem:$0x3FB6] =	sst s10  }
0x38: {  	s10 =	sld [smem:$0x3FB7]  }
0x39: {  	_ = 	snop;
	(pc) =	sbr.ind lr, $3  }
0x3a: {  	_ = 	snop  }
0x3b: {  	_ = 	snop  }
0x3c: {  	p2 =	seq.s32 s10, $0x1;
	s10 =	sld [smem:$0x3FB6]  }
0x3d: {  	_ =	shalt  }
0x3e: {  	_ =	shalt  }
0x3f: {  	_ =	shalt  }
0x40: {  	_ =	shalt  }
0x41: {  	_ =	shalt  }
0x42: {  	_ =	shalt  }
0x43: {  	_ =	shalt  }
0x44: {  	_ =	shalt  }
0x45: {  	_ =	shalt  }
0x46: {  	_ =	shalt  }
0x47: {  	_ =	shalt  }
0x48: {  	_ =	shalt  }
0x49: {  	_ =	shalt  }
0x4a: {  	_ =	shalt  }
0x4b: {  	_ =	shalt  }
0x4c: {  	_ =	shalt  }
0x4d: {  	_ =	shalt  }
0x4e: {  	_ =	shalt  }
0x4f: {  	_ =	shalt  }
0x50: {  	_ =	shalt  }
0x51: {  	_ =	shalt  }
0x52: {  	_ =	shalt  }
0x53: {  	_ =	shalt  }
0x54: {  	_ =	shalt  }
0x55: {  	_ =	shalt  }
0x56: {  	_ =	shalt  }
0x57: {  	_ =	shalt  }
0x58: {  	_ =	shalt  }
0x59: {  	_ =	shalt  }
0x5a: {  	_ =	shalt  }
0x5b: {  	_ =	shalt  }
0x5c: {  	_ =	shalt  }
0x5d: {  	_ =	shalt  }
0x5e: {  	_ =	shalt  }
0x5f: {  	_ =	shalt  }
0x60: {  	_ =	shalt  }
0x61: {  	_ =	shalt  }
0x62: {  	_ =	shalt  }
0x63: {  	_ =	shalt  }
0x64: {  	_ =	shalt  }
0x65: {  	_ =	shalt  }
0x66: {  	_ =	shalt  }
0x67: {  	_ =	shalt  }
0x68: {  	_ =	shalt  }
0x69: {  	_ =	shalt  }
0x6a: {  	_ =	shalt  }
0x6b: {  	_ =	shalt  }
0x6c: {  	_ =	shalt  }
0x6d: {  	_ =	shalt  }
0x6e: {  	_ =	shalt  }
0x6f: {  	_ =	shalt  }
0x70: {  	_ =	shalt  }
0x71: {  	_ =	shalt  }
0x72: {  	_ =	shalt  }
0x73: {  	_ =	shalt  }
0x74: {  	_ =	shalt  }
0x75: {  	_ =	shalt  }
0x76: {  	_ =	shalt  }
0x77: {  	_ =	shalt  }
0x78: {  	_ =	shalt  }
0x79: {  	_ =	shalt  }
0x7a: {  	_ =	shalt  }
0x7b: {  	_ =	shalt  }
0x7c: {  	_ =	shalt  }
0x7d: {  	_ =	shalt  }
0x7e: {  	_ =	shalt  }
0x7f: {  	_ =	shalt  }
0x80: {  	_ =	shalt  }
0x81: {  	_ =	shalt  }
0x82: {  	_ =	shalt  }
0x83: {  	_ =	shalt  }
0x84: {  	_ =	shalt  }
0x85: {  	_ =	shalt  }
0x86: {  	_ =	shalt  }
0x87: {  	_ =	shalt  }
.Lfunc_end0:
.L_simem_size_0:
called_computation.1_lowered:
.L_overlay_start_0:
0x88: {  	s2 =	sld [smem:$0x3FD9]  }
0x89: {  	s3 =	sld [smem:$0x3FFE];
	_ =	sdelay $0x1  }
0x8a: {  	s1 =	srdreg.scid  }
0x8b: {  	s0 =	sand.u32 $0x1, s1  }
0x8c: {  	s17 =	sshll.u32 s0, $0xA;
	s2 =	sadd.s32 s3, s2  }
0x8d: {  	s2 =	sadd.s32 s2, s17  }
0x8e: {  	[smem:$0x3FC2] =	sst s2  }
0x8f: {  	_ = 	snop  }
0x90: {  	s2 =	sld [smem:$0x3FD0];
	(tm) =	ssettm $0x1  }
0x91: {  	s18 =	sld [smem:$0x3FFB];
	_ =	sdelay $0x3  }
0x92: {  	_ =	strace s18  }
0x93: {  	s3 =	sld [smem:$0x3FFC];
	_ =	sdelay $0x3  }
0x94: {  	_ =	strace s3  }
0x95: {  	s3 =	sld [smem:$0x3FFD];
	_ =	sdelay $0x3  }
0x96: {  	_ =	strace s3  }
0x97: {  	_ =	strace $0x8FFFFFFF  }
0x98: {  	s19 =	sld [smem:$0x3FDB];
	_ =	sdelay $0x1  }
0x99: {  	s4 =	simm.s32 $_scs_section_size  }
0x9a: {  	s5 =	simm.s32 $_size__tile_overlayer_lowered;
	s6 =	simm.s32 $_tile_overlayer_lowered  }
0x9b: {  	s22 =	simm.s32 $0x1BFF;
	s21 =	sshll.u32 s6, $0x1;
	s3 =	sadd.s32 s4, s19  }
0x9c: {  	s7 =	simm.s32 $0x0;
	s20 =	sshll.u32 s5, $0x1;
	s5 =	sadd.s32 s21, s3  }
0x9d: {  	[timem:s7], [sflag:s22] =	dma.local [hbm:s5], s20  }
0x9e: {  	_ =	swait.ge [sflag:s22], s20  }
0x9f: {  	s4 =	ssub.s32 $0x0, s20;
	[sflag:s22] =	ssyncset.done $0x0  }
0xa0: {  	[sflag:s22] =	ssyncadd.s32 s4;
	_ =	sdelay $0x1  }
0xa1: {  	s23 =	simm.s32 $0x1B8B  }
0xa2: {  	_ =	swait.ge [sflag:s23], $0x1  }
0xa3: {  	[sflag:s23] =	ssyncset.done $0x0  }
0xa4: {  	s25 =	simm.s32 $0x1B8E;
	s24 =	sld [smem:$0x3FFE];
	[sflag:s23] =	ssyncadd.s32 $0xFFFFFFFF  }
0xa5: {  	s26 =	simm.s32 $execute0_lowered;
	[smem:$0x3FD2] =	sst s25  }
0xa6: {  	s5 =	sshll.u32 s26, $0x1;
	_ =	strace $0x80000049;
	[dreg:$0x1] =	wrdreg $0xFFFFFFFF  }
0xa7: {  	s28 =	simm.s32 $_size_execute0_lowered;
	s3 =	sadd.s32 s3, s5;
	[dreg:$0x0] =	wrdreg $0x0  }
0xa8: {  	s5 =	sshll.u32 s28, $0x1;
	[dreg:$0x2] =	wrdreg s3  }
0xa9: {  	[dreg:$0x3] =	wrdreg s5  }
0xaa: {  	[dreg:$0x4] =	wrdreg $0xC0  }
0xab: {  	_ =	task [dreg:s7], $0x5FFFF  }
0xac: {  	[dreg:$0x1] =	wrdreg $0xFFFFFFFF  }
0xad: {  	[dreg:$0x0] =	wrdreg $0x60  }
0xae: {  	[dreg:$0x2] =	wrdreg s2  }
0xaf: {  	[dreg:$0x3] =	wrdreg s24  }
0xb0: {  	[dreg:$0x4] =	wrdreg $0x48000  }
0xb1: {  	[dreg:$0x5] =	wrdreg $0x9  }
0xb2: {  	_ =	task.clear_ibuf [dreg:s7], $0x6FFFF;
	_ =	strace $0x90000049  }
0xb3: {  	s29 =	simm.s32 $0x9;
	_ =	strace $0x8000004B  }
0xb4: {  	_ =	swait.ge [sflag:s29], $0x1  }
0xb5: {  	[sflag:s29] =	ssyncadd.s32 $0xFFFFFFFF  }
0xb6: {  	_ =	strace $0x9000004B  }
0xb7: {  	_ =	sfence  }
0xb8: {  	s30 =	sld [smem:$0x0];
	_ =	sdelay $0x2  }
0xb9: {  	s31 =	sshll.u32 s1, $0xD;
	s1 =	sshrl.u32 s1, $0x2  }
0xba: {  	s3 =	sand.u32 $0x4000, s31;
	s1 =	sadd.s32 s1, s30  }
0xbb: {  	s0 =	sor.u32 s3, s0;
	s1 =	sshll.u32 s1, $0x11  }
0xbc: {  	s0 =	sor.u32 s1, s0  }
0xbd: {  	s0 =	sadd.s32 $0x8F2B, s0  }
0xbe: {  	[sflag:s0] =	ssyncadd.remote.s32 $0x1  }
0xbf: {  	_ =	sfence.sel $0xFFFF  }
0xc0: {  	[dreg:$0x0] =	wrdreg $0xFFFFFFFF;
	(pc) =	sbr.abs _section_cstart, $3  }
0xc1: {  	[dreg:$0x1] =	wrdreg $0xFFFFFFFF  }
0xc2: {  	_ =	task.clear_ibuf [dreg:s7], $0x2FFFF;
	_ =	strace $0x9FFFFFFF  }
0xc3: {  	(tm) =	ssettm $0x7FFFFFFF  }
tec
execute0_lowered:
.L_overlay_start_1:
0x0: {  	(tag) =	ssettag $0x1  }
0x1: {  	s0 =	rddreg [dreg:$0x0]  }
0x2: {  	s1 =	rddreg [dreg:$0x1];
	s3 =	srdreg.scid  }
0x3: {  	s11 =	stileid.u32;
	s2 =	rddreg [dreg:$0x2];
	s17 =	simm.s32 $0x800  }
0x4: {  	s28 =	simm.s32 $0x580;
	s29 =	simm.s32 $0x200;
	s4 =	smul.u32 $0x5000, s11  }
0x5: {  	s30 =	simm.s32 $0x600;
	s5 =	sand.u32 $0x1, s3;
	s8 =	smul.u32 $0x50000, s11  }
0x6: {  	s31 =	simm.s32 $0x280;
	s19 =	smul.u32 $0x2800, s11;
	s7 =	ssub.s32 $0x2, s5  }
0x7: {  	s3 =	simm.s32 $0x0;
	s6 =	smul.u32 $0x2800, s5;
	s10 =	sshrl.u32 s7, $0x1  }
0x8: {  	[smem:$0x7FF] =	sst s3;
	s18 =	sshrl.u32 s8, $0x2;
	s7 =	ssub.s32 s7, s10  }
0x9: {  	p0 =	seq.s32 s5, $0x1;
	s5 =	sadd.s32 s18, s2;
	s7 =	smax.u32 s7, $0x1  }
0xa: {  	_ =	strace $0x8000004A;
	s20 =	sadd.s32 $0x2800, s5;
	[dreg:$0x4] =	wrdreg s7  }
0xb: {  	s8 =	simm.s32 $0x780;
	s21 =	sadd.s32 $0x5000, s5;
	[dreg:$0x5] =	wrdreg s20  }
0xc: {  	s4 =	sadd.s32 s6, s4;
	s22 =	sadd.s32 $0x7800, s5;
	[dreg:$0x6] =	wrdreg s21  }
0xd: {  	s18 =	simm.s32 $0x2;
	s23 =	sadd.s32 $0xA000, s5;
	[dreg:$0x7] =	wrdreg s22  }
0xe: {  	s6 =	sshrl.u32 s4, $0x3;
	s24 =	sadd.s32 $0xC800, s5;
	[dreg:$0x8] =	wrdreg s23  }
0xf: {  	s4 =	sadd.s32 $0x5D000, s1;
	s25 =	sadd.s32 $0xF000, s5;
	[dreg:$0x9] =	wrdreg s24  }
0x10: {  	s26 =	sadd.s32 $0x11800, s5;
	s9 =	sadd.s32 s6, s1;
	[dreg:$0xa] =	wrdreg s25  }
0x11: {  	s7 =	simm.s32 $0xAD000;
	[dreg:$0xb] =	wrdreg s26;
	s16 =	sadd.s32 s6, s0  }
0x12: {  	s20 =	simm.s32 $0x7D;
	s21 =	simm.s32 $0x1;
	s22 =	simm.s32 $0x80  }
0x13: {  	s23 =	simm.s32 $0x480;
	s24 =	simm.s32 $0x100;
	s25 =	simm.s32 $0x500  }
0x14: {  	s26 =	simm.s32 $0x180;
	s0 =	simm.s32 $0x300;
	s7 =	simm.s32 @!p0 $0x85000  }
0x15: {  	s6 =	simm.s32 $0x700;
	s15 =	sadd.s32 $0x2400, s9;
	s1 =	sadd.s32 s7, s1  }
0x16: {  	s9 =	simm.s32 $0x0;
	s7 =	simm.s32 $0x380;
	s1 =	sadd.s32 s1, s19  }
0x17: {  	v0 =	vimm.f32 $0.0e+00;
	s19 =	simm.s32 $0x400;
	[dreg:$0xc] =	wrdreg s1;
	s1 =	simm.s32 $0x680  }
.LBB2_1:
0x18: {  	s10 =	sand.u32 $0xFE00, s3  }
0x19: {  	s11 =	sand.u32 $0x70, s3;
	s12 =	sshrl.u32 s10, $0x2  }
0x1a: {  	s10 =	simm.s32 $0x40;
	s12 =	sor.u32 s11, s12;
	s11 =	simm.s32 $0x0  }
.LBB2_2:
0x1b: {  	p0 =	sne.s32 s10, $0x9FC0  }
0x1c: {  	[tilespmem:s12+$0x800] =	vst v0;
	s11 =	sadd.s32 $0x10, s11;
	s12 =	smov.u32 s10;
	s10 =	sadd.s32 $0x40, s10  }
.Ltmp0:
0x1d: {  	(pc) =	sbr.rel @p0 .LBB2_2-.Ltmp0, $4  }
0x1e: {  	_ = 	snop  }
0x1f: {  	s12 =	sand.u32 $0xFE00, s12  }
0x20: {  	s13 =	sand.u32 $0x70, s11;
	s12 =	sshrl.u32 s12, $0x2  }
0x21: {  	s12 =	sor.u32 s13, s12  }
0x22: {  	[tilespmem:s12+$0x800] =	vst v0  }
0x23: {  	[spmem:s5] =	stream.linear.scatter [tilespmem:s17], [sflag:$0x2], $0x2800, $0x38;
	[tilespmem:$0x18800] =	vst v63  }
0x24: {  	_ =	swait.ge [sflag:s18], $0x2800  }
0x25: {  	[sflag:s18] =	ssyncset.done $0x0  }
0x26: {  	s10 =	rddreg [dreg:$0x5];
	[sflag:s18] =	ssyncadd.s32 $0xFFFFD800  }
0x27: {  	[spmem:s10] =	stream.linear.scatter [tilespmem:s17], [sflag:$0x2], $0x2800, $0x38;
	[tilespmem:$0x18800] =	vst v63  }
0x28: {  	_ =	swait.ge [sflag:s18], $0x2800  }
0x29: {  	[sflag:s18] =	ssyncset.done $0x0  }
0x2a: {  	s11 =	rddreg [dreg:$0x6];
	[sflag:s18] =	ssyncadd.s32 $0xFFFFD800  }
0x2b: {  	[spmem:s11] =	stream.linear.scatter [tilespmem:s17], [sflag:$0x2], $0x2800, $0x38;
	[tilespmem:$0x18800] =	vst v63  }
0x2c: {  	_ =	swait.ge [sflag:s18], $0x2800  }
0x2d: {  	[sflag:s18] =	ssyncset.done $0x0  }
0x2e: {  	s12 =	rddreg [dreg:$0x7];
	[sflag:s18] =	ssyncadd.s32 $0xFFFFD800  }
0x2f: {  	[spmem:s12] =	stream.linear.scatter [tilespmem:s17], [sflag:$0x2], $0x2800, $0x38;
	[tilespmem:$0x18800] =	vst v63  }
0x30: {  	_ =	swait.ge [sflag:s18], $0x2800  }
0x31: {  	[sflag:s18] =	ssyncset.done $0x0  }
0x32: {  	s13 =	rddreg [dreg:$0x8];
	[sflag:s18] =	ssyncadd.s32 $0xFFFFD800  }
0x33: {  	[spmem:s13] =	stream.linear.scatter [tilespmem:s17], [sflag:$0x2], $0x2800, $0x38;
	[tilespmem:$0x18800] =	vst v63  }
0x34: {  	_ =	swait.ge [sflag:s18], $0x2800  }
0x35: {  	[sflag:s18] =	ssyncset.done $0x0  }
0x36: {  	s14 =	rddreg [dreg:$0x9];
	[sflag:s18] =	ssyncadd.s32 $0xFFFFD800  }
0x37: {  	[spmem:s14] =	stream.linear.scatter [tilespmem:s17], [sflag:$0x2], $0x2800, $0x38;
	[tilespmem:$0x18800] =	vst v63  }
0x38: {  	_ =	swait.ge [sflag:s18], $0x2800  }
0x39: {  	[sflag:s18] =	ssyncset.done $0x0  }
0x3a: {  	s11 =	rddreg [dreg:$0xa];
	[sflag:s18] =	ssyncadd.s32 $0xFFFFD800  }
0x3b: {  	[spmem:s11] =	stream.linear.scatter [tilespmem:s17], [sflag:$0x2], $0x2800, $0x38;
	[tilespmem:$0x18800] =	vst v63  }
0x3c: {  	_ =	swait.ge [sflag:s18], $0x2800  }
0x3d: {  	[sflag:s18] =	ssyncset.done $0x0  }
0x3e: {  	s12 =	rddreg [dreg:$0xb];
	[sflag:s18] =	ssyncadd.s32 $0xFFFFD800  }
0x3f: {  	[spmem:s12] =	stream.linear.scatter [tilespmem:s17], [sflag:$0x2], $0x2800, $0x38;
	[tilespmem:$0x18800] =	vst v63  }
0x40: {  	_ =	swait.ge [sflag:s18], $0x2800  }
0x41: {  	[sflag:s18] =	ssyncset.done $0x0  }
0x42: {  	[sflag:s18] =	ssyncadd.s32 $0xFFFFD800  }
0x43: {  	s13 =	sadd.s32 $0x0, s16;
	[bflag:$0x0] =	sbarrier.arrive $0xFFFF  }
0x44: {  	[tilespmem:s3], [sflag:$0x2] =	stream.linear.gather [hbm4b:s13+s3], $0x400, $0x38;
	[tilespmem:$0x18800] =	vst v63  }
0x45: {  	_ =	swait.ge [sflag:s18], $0x400  }
0x46: {  	[sflag:s18] =	ssyncset.done $0x0  }
0x47: {  	s14 =	sadd.s32 $0x0, s15;
	[sflag:s18] =	ssyncadd.s32 $0xFFFFFC00  }
0x48: {  	[tilespmem:s19], [sflag:$0x2] =	stream.linear.gather [hbm4b:s14+s3], $0x400, $0x38;
	[tilespmem:$0x18800] =	vst v63  }
0x49: {  	_ =	swait.ge [sflag:s18], $0x400  }
0x4a: {  	[sflag:s18] =	ssyncset.done $0x0  }
0x4b: {  	[sflag:s18] =	ssyncadd.s32 $0xFFFFFC00  }
0x4c: {  	[tilespmem:s17], [sflag:$0x1] =	stream.indirect.gather [hbm4b:s4+s20], $0x80, s3, s20, $0xb8;
	[tilespmem:$0x18800] =	vst v63  }
0x4d: {  	_ =	swait.ge [sflag:s21], $0x3E80  }
0x4e: {  	[sflag:s21] =	ssyncset.done $0x0  }
0x4f: {  	[sflag:s21] =	ssyncadd.s32 $0xFFFFC180  }
0x50: {  	[spmem:s2] =	stream.indirect.scatter.add.f32 [tilespmem:s17], [sflag:$0x2], $0x80, s19, s20, $0xb8;
	[tilespmem:$0x18800] =	vst v63  }
0x51: {  	_ =	swait.ge [sflag:s18], $0x3E80  }
0x52: {  	[sflag:s18] =	ssyncset.done $0x0  }
0x53: {  	[sflag:s18] =	ssyncadd.s32 $0xFFFFC180  }
0x54: {  	[tilespmem:s17], [sflag:$0x1] =	stream.indirect.gather [hbm4b:s4+s20], $0x80, s22, s20, $0xb8;
	[tilespmem:$0x18800] =	vst v63  }
0x55: {  	_ =	swait.ge [sflag:s21], $0x3E80  }
0x56: {  	[sflag:s21] =	ssyncset.done $0x0  }
0x57: {  	[sflag:s21] =	ssyncadd.s32 $0xFFFFC180  }
0x58: {  	[spmem:s2] =	stream.indirect.scatter.add.f32 [tilespmem:s17], [sflag:$0x2], $0x80, s23, s20, $0xb8;
	[tilespmem:$0x18800] =	vst v63  }
0x59: {  	_ =	swait.ge [sflag:s18], $0x3E80  }
0x5a: {  	[sflag:s18] =	ssyncset.done $0x0  }
0x5b: {  	[sflag:s18] =	ssyncadd.s32 $0xFFFFC180  }
0x5c: {  	[tilespmem:s17], [sflag:$0x1] =	stream.indirect.gather [hbm4b:s4+s20], $0x80, s24, s20, $0xb8;
	[tilespmem:$0x18800] =	vst v63  }
0x5d: {  	_ =	swait.ge [sflag:s21], $0x3E80  }
0x5e: {  	[sflag:s21] =	ssyncset.done $0x0  }
0x5f: {  	[sflag:s21] =	ssyncadd.s32 $0xFFFFC180  }
0x60: {  	[spmem:s2] =	stream.indirect.scatter.add.f32 [tilespmem:s17], [sflag:$0x2], $0x80, s25, s20, $0xb8;
	[tilespmem:$0x18800] =	vst v63  }
0x61: {  	_ =	swait.ge [sflag:s18], $0x3E80  }
0x62: {  	[sflag:s18] =	ssyncset.done $0x0  }
0x63: {  	[sflag:s18] =	ssyncadd.s32 $0xFFFFC180  }
0x64: {  	[tilespmem:s17], [sflag:$0x1] =	stream.indirect.gather [hbm4b:s4+s20], $0x80, s26, s20, $0xb8;
	[tilespmem:$0x18800] =	vst v63  }
0x65: {  	_ =	swait.ge [sflag:s21], $0x3E80  }
0x66: {  	[sflag:s21] =	ssyncset.done $0x0  }
0x67: {  	[sflag:s21] =	ssyncadd.s32 $0xFFFFC180  }
0x68: {  	[spmem:s2] =	stream.indirect.scatter.add.f32 [tilespmem:s17], [sflag:$0x2], $0x80, s28, s20, $0xb8;
	[tilespmem:$0x18800] =	vst v63  }
0x69: {  	_ =	swait.ge [sflag:s18], $0x3E80  }
0x6a: {  	[sflag:s18] =	ssyncset.done $0x0  }
0x6b: {  	[sflag:s18] =	ssyncadd.s32 $0xFFFFC180  }
0x6c: {  	[tilespmem:s17], [sflag:$0x1] =	stream.indirect.gather [hbm4b:s4+s20], $0x80, s29, s20, $0xb8;
	[tilespmem:$0x18800] =	vst v63  }
0x6d: {  	_ =	swait.ge [sflag:s21], $0x3E80  }
0x6e: {  	[sflag:s21] =	ssyncset.done $0x0  }
0x6f: {  	[sflag:s21] =	ssyncadd.s32 $0xFFFFC180  }
0x70: {  	[spmem:s2] =	stream.indirect.scatter.add.f32 [tilespmem:s17], [sflag:$0x2], $0x80, s30, s20, $0xb8;
	[tilespmem:$0x18800] =	vst v63  }
0x71: {  	_ =	swait.ge [sflag:s18], $0x3E80  }
0x72: {  	[sflag:s18] =	ssyncset.done $0x0  }
0x73: {  	[sflag:s18] =	ssyncadd.s32 $0xFFFFC180  }
0x74: {  	[tilespmem:s17], [sflag:$0x1] =	stream.indirect.gather [hbm4b:s4+s20], $0x80, s31, s20, $0xb8;
	[tilespmem:$0x18800] =	vst v63  }
0x75: {  	_ =	swait.ge [sflag:s21], $0x3E80  }
0x76: {  	[sflag:s21] =	ssyncset.done $0x0  }
0x77: {  	[sflag:s21] =	ssyncadd.s32 $0xFFFFC180  }
0x78: {  	[spmem:s2] =	stream.indirect.scatter.add.f32 [tilespmem:s17], [sflag:$0x2], $0x80, s1, s20, $0xb8;
	[tilespmem:$0x18800] =	vst v63  }
0x79: {  	_ =	swait.ge [sflag:s18], $0x3E80  }
0x7a: {  	[sflag:s18] =	ssyncset.done $0x0  }
0x7b: {  	[sflag:s18] =	ssyncadd.s32 $0xFFFFC180  }
0x7c: {  	[tilespmem:s17], [sflag:$0x1] =	stream.indirect.gather [hbm4b:s4+s20], $0x80, s0, s20, $0xb8;
	[tilespmem:$0x18800] =	vst v63  }
0x7d: {  	_ =	swait.ge [sflag:s21], $0x3E80  }
0x7e: {  	[sflag:s21] =	ssyncset.done $0x0  }
0x7f: {  	[sflag:s21] =	ssyncadd.s32 $0xFFFFC180  }
0x80: {  	[spmem:s2] =	stream.indirect.scatter.add.f32 [tilespmem:s17], [sflag:$0x2], $0x80, s6, s20, $0xb8;
	[tilespmem:$0x18800] =	vst v63  }
0x81: {  	_ =	swait.ge [sflag:s18], $0x3E80  }
0x82: {  	[sflag:s18] =	ssyncset.done $0x0  }
0x83: {  	[sflag:s18] =	ssyncadd.s32 $0xFFFFC180  }
0x84: {  	[tilespmem:s17], [sflag:$0x1] =	stream.indirect.gather [hbm4b:s4+s20], $0x80, s7, s20, $0xb8;
	[tilespmem:$0x18800] =	vst v63  }
0x85: {  	_ =	swait.ge [sflag:s21], $0x3E80  }
0x86: {  	[sflag:s21] =	ssyncset.done $0x0  }
0x87: {  	[sflag:s21] =	ssyncadd.s32 $0xFFFFC180  }
0x88: {  	[spmem:s2] =	stream.indirect.scatter.add.f32 [tilespmem:s17], [sflag:$0x2], $0x80, s8, s20, $0xb8;
	[tilespmem:$0x18800] =	vst v63  }
0x89: {  	_ =	swait.ge [sflag:s18], $0x3E80  }
0x8a: {  	s10 =	simm.s32 $0x80;
	s11 =	simm.s32 $0x100;
	[sflag:s18] =	ssyncset.done $0x0  }
.LBB2_4:
0x8b: {  	s13 =	sadd.s32 s10, s16  }
0x8c: {  	[sflag:s18] =	ssyncadd.s32 $0xFFFFC180;
	s14 =	smov.u32 s11;
	s12 =	sadd.s32 $0x80, s11  }
0x8d: {  	[tilespmem:s3], [sflag:$0x2] =	stream.linear.gather [hbm4b:s13+s3], $0x400, $0x38;
	[tilespmem:$0x18800] =	vst v63  }
0x8e: {  	p0 =	sne.s32 s11, $0x480;
	_ =	swait.ge [sflag:s18], $0x400  }
0x8f: {  	[sflag:s18] =	ssyncset.done $0x0  }
0x90: {  	s11 =	sadd.s32 s10, s15;
	s10 =	smov.u32 s14;
	[sflag:s18] =	ssyncadd.s32 $0xFFFFFC00  }
0x91: {  	[tilespmem:s19], [sflag:$0x2] =	stream.linear.gather [hbm4b:s11+s3], $0x400, $0x38;
	[tilespmem:$0x18800] =	vst v63  }
0x92: {  	_ =	swait.ge [sflag:s18], $0x400  }
0x93: {  	[sflag:s18] =	ssyncset.done $0x0  }
0x94: {  	[sflag:s18] =	ssyncadd.s32 $0xFFFFFC00  }
0x95: {  	[tilespmem:s17], [sflag:$0x1] =	stream.indirect.gather [hbm4b:s4+s20], $0x80, s3, s20, $0xb8;
	[tilespmem:$0x18800] =	vst v63  }
0x96: {  	_ =	swait.ge [sflag:s21], $0x3E80  }
0x97: {  	[sflag:s21] =	ssyncset.done $0x0  }
0x98: {  	[sflag:s21] =	ssyncadd.s32 $0xFFFFC180  }
0x99: {  	[spmem:s2] =	stream.indirect.scatter.add.f32 [tilespmem:s17], [sflag:$0x2], $0x80, s19, s20, $0xb8;
	[tilespmem:$0x18800] =	vst v63  }
0x9a: {  	_ =	swait.ge [sflag:s18], $0x3E80  }
0x9b: {  	[sflag:s18] =	ssyncset.done $0x0  }
0x9c: {  	[sflag:s18] =	ssyncadd.s32 $0xFFFFC180  }
0x9d: {  	[tilespmem:s17], [sflag:$0x1] =	stream.indirect.gather [hbm4b:s4+s20], $0x80, s22, s20, $0xb8;
	[tilespmem:$0x18800] =	vst v63  }
0x9e: {  	_ =	swait.ge [sflag:s21], $0x3E80  }
0x9f: {  	[sflag:s21] =	ssyncset.done $0x0  }
0xa0: {  	[sflag:s21] =	ssyncadd.s32 $0xFFFFC180  }
0xa1: {  	[spmem:s2] =	stream.indirect.scatter.add.f32 [tilespmem:s17], [sflag:$0x2], $0x80, s23, s20, $0xb8;
	[tilespmem:$0x18800] =	vst v63  }
0xa2: {  	_ =	swait.ge [sflag:s18], $0x3E80  }
0xa3: {  	[sflag:s18] =	ssyncset.done $0x0  }
0xa4: {  	[sflag:s18] =	ssyncadd.s32 $0xFFFFC180  }
0xa5: {  	[tilespmem:s17], [sflag:$0x1] =	stream.indirect.gather [hbm4b:s4+s20], $0x80, s24, s20, $0xb8;
	[tilespmem:$0x18800] =	vst v63  }
0xa6: {  	_ =	swait.ge [sflag:s21], $0x3E80  }
0xa7: {  	[sflag:s21] =	ssyncset.done $0x0  }
0xa8: {  	[sflag:s21] =	ssyncadd.s32 $0xFFFFC180  }
0xa9: {  	[spmem:s2] =	stream.indirect.scatter.add.f32 [tilespmem:s17], [sflag:$0x2], $0x80, s25, s20, $0xb8;
	[tilespmem:$0x18800] =	vst v63  }
0xaa: {  	_ =	swait.ge [sflag:s18], $0x3E80  }
0xab: {  	[sflag:s18] =	ssyncset.done $0x0  }
0xac: {  	[sflag:s18] =	ssyncadd.s32 $0xFFFFC180  }
0xad: {  	[tilespmem:s17], [sflag:$0x1] =	stream.indirect.gather [hbm4b:s4+s20], $0x80, s26, s20, $0xb8;
	[tilespmem:$0x18800] =	vst v63  }
0xae: {  	_ =	swait.ge [sflag:s21], $0x3E80  }
0xaf: {  	[sflag:s21] =	ssyncset.done $0x0  }
0xb0: {  	[sflag:s21] =	ssyncadd.s32 $0xFFFFC180  }
0xb1: {  	[spmem:s2] =	stream.indirect.scatter.add.f32 [tilespmem:s17], [sflag:$0x2], $0x80, s28, s20, $0xb8;
	[tilespmem:$0x18800] =	vst v63  }
0xb2: {  	_ =	swait.ge [sflag:s18], $0x3E80  }
0xb3: {  	[sflag:s18] =	ssyncset.done $0x0  }
0xb4: {  	[sflag:s18] =	ssyncadd.s32 $0xFFFFC180  }
0xb5: {  	[tilespmem:s17], [sflag:$0x1] =	stream.indirect.gather [hbm4b:s4+s20], $0x80, s29, s20, $0xb8;
	[tilespmem:$0x18800] =	vst v63  }
0xb6: {  	_ =	swait.ge [sflag:s21], $0x3E80  }
0xb7: {  	[sflag:s21] =	ssyncset.done $0x0  }
0xb8: {  	[sflag:s21] =	ssyncadd.s32 $0xFFFFC180  }
0xb9: {  	[spmem:s2] =	stream.indirect.scatter.add.f32 [tilespmem:s17], [sflag:$0x2], $0x80, s30, s20, $0xb8;
	[tilespmem:$0x18800] =	vst v63  }
0xba: {  	_ =	swait.ge [sflag:s18], $0x3E80  }
0xbb: {  	[sflag:s18] =	ssyncset.done $0x0  }
0xbc: {  	[sflag:s18] =	ssyncadd.s32 $0xFFFFC180  }
0xbd: {  	[tilespmem:s17], [sflag:$0x1] =	stream.indirect.gather [hbm4b:s4+s20], $0x80, s31, s20, $0xb8;
	[tilespmem:$0x18800] =	vst v63  }
0xbe: {  	_ =	swait.ge [sflag:s21], $0x3E80  }
0xbf: {  	[sflag:s21] =	ssyncset.done $0x0  }
0xc0: {  	[sflag:s21] =	ssyncadd.s32 $0xFFFFC180  }
0xc1: {  	[spmem:s2] =	stream.indirect.scatter.add.f32 [tilespmem:s17], [sflag:$0x2], $0x80, s1, s20, $0xb8;
	[tilespmem:$0x18800] =	vst v63  }
0xc2: {  	_ =	swait.ge [sflag:s18], $0x3E80  }
0xc3: {  	[sflag:s18] =	ssyncset.done $0x0  }
0xc4: {  	[sflag:s18] =	ssyncadd.s32 $0xFFFFC180  }
0xc5: {  	[tilespmem:s17], [sflag:$0x1] =	stream.indirect.gather [hbm4b:s4+s20], $0x80, s0, s20, $0xb8;
	[tilespmem:$0x18800] =	vst v63  }
0xc6: {  	_ =	swait.ge [sflag:s21], $0x3E80  }
0xc7: {  	[sflag:s21] =	ssyncset.done $0x0  }
0xc8: {  	[sflag:s21] =	ssyncadd.s32 $0xFFFFC180  }
0xc9: {  	[spmem:s2] =	stream.indirect.scatter.add.f32 [tilespmem:s17], [sflag:$0x2], $0x80, s6, s20, $0xb8;
	[tilespmem:$0x18800] =	vst v63  }
0xca: {  	_ =	swait.ge [sflag:s18], $0x3E80  }
0xcb: {  	[sflag:s18] =	ssyncset.done $0x0  }
0xcc: {  	[sflag:s18] =	ssyncadd.s32 $0xFFFFC180  }
0xcd: {  	[tilespmem:s17], [sflag:$0x1] =	stream.indirect.gather [hbm4b:s4+s20], $0x80, s7, s20, $0xb8;
	[tilespmem:$0x18800] =	vst v63  }
0xce: {  	_ =	swait.ge [sflag:s21], $0x3E80  }
.Ltmp1:
0xcf: {  	[sflag:s21] =	ssyncset.done $0x0;
	(pc) =	sbr.rel @p0 .LBB2_4-.Ltmp1, $4  }
0xd0: {  	[sflag:s21] =	ssyncadd.s32 $0xFFFFC180  }
0xd1: {  	[spmem:s2] =	stream.indirect.scatter.add.f32 [tilespmem:s17], [sflag:$0x2], $0x80, s8, s20, $0xb8;
	[tilespmem:$0x18800] =	vst v63  }
0xd2: {  	_ =	swait.ge [sflag:s18], $0x3E80  }
0xd3: {  	s11 =	smov.u32 s12;
	[sflag:s18] =	ssyncset.done $0x0  }
0xd4: {  	s11 =	sadd.s32 s10, s16;
	[sflag:s18] =	ssyncadd.s32 $0xFFFFC180  }
0xd5: {  	[tilespmem:s3], [sflag:$0x2] =	stream.linear.gather [hbm4b:s11+s3], $0x400, $0x38;
	[tilespmem:$0x18800] =	vst v63  }
0xd6: {  	_ =	swait.ge [sflag:s18], $0x400  }
0xd7: {  	[sflag:s18] =	ssyncset.done $0x0  }
0xd8: {  	s11 =	sadd.s32 s10, s15;
	[sflag:s18] =	ssyncadd.s32 $0xFFFFFC00  }
0xd9: {  	[tilespmem:s19], [sflag:$0x2] =	stream.linear.gather [hbm4b:s11+s3], $0x400, $0x38;
	[tilespmem:$0x18800] =	vst v63  }
0xda: {  	_ =	swait.ge [sflag:s18], $0x400  }
0xdb: {  	[sflag:s18] =	ssyncset.done $0x0  }
0xdc: {  	[sflag:s18] =	ssyncadd.s32 $0xFFFFFC00  }
0xdd: {  	[tilespmem:s17], [sflag:$0x1] =	stream.indirect.gather [hbm4b:s4+s20], $0x80, s3, s20, $0xb8;
	[tilespmem:$0x18800] =	vst v63  }
0xde: {  	_ =	swait.ge [sflag:s21], $0x3E80  }
0xdf: {  	[sflag:s21] =	ssyncset.done $0x0  }
0xe0: {  	[sflag:s21] =	ssyncadd.s32 $0xFFFFC180  }
0xe1: {  	[spmem:s2] =	stream.indirect.scatter.add.f32 [tilespmem:s17], [sflag:$0x2], $0x80, s19, s20, $0xb8;
	[tilespmem:$0x18800] =	vst v63  }
0xe2: {  	_ =	swait.ge [sflag:s18], $0x3E80  }
0xe3: {  	[sflag:s18] =	ssyncset.done $0x0  }
0xe4: {  	[sflag:s18] =	ssyncadd.s32 $0xFFFFC180  }
0xe5: {  	[tilespmem:s17], [sflag:$0x1] =	stream.indirect.gather [hbm4b:s4+s20], $0x80, s22, s20, $0xb8;
	[tilespmem:$0x18800] =	vst v63  }
0xe6: {  	_ =	swait.ge [sflag:s21], $0x3E80  }
0xe7: {  	[sflag:s21] =	ssyncset.done $0x0  }
0xe8: {  	[sflag:s21] =	ssyncadd.s32 $0xFFFFC180  }
0xe9: {  	[spmem:s2] =	stream.indirect.scatter.add.f32 [tilespmem:s17], [sflag:$0x2], $0x80, s23, s20, $0xb8;
	[tilespmem:$0x18800] =	vst v63  }
0xea: {  	_ =	swait.ge [sflag:s18], $0x3E80  }
0xeb: {  	[sflag:s18] =	ssyncset.done $0x0  }
0xec: {  	[sflag:s18] =	ssyncadd.s32 $0xFFFFC180  }
0xed: {  	[tilespmem:s17], [sflag:$0x1] =	stream.indirect.gather [hbm4b:s4+s20], $0x80, s24, s20, $0xb8;
	[tilespmem:$0x18800] =	vst v63  }
0xee: {  	_ =	swait.ge [sflag:s21], $0x3E80  }
0xef: {  	[sflag:s21] =	ssyncset.done $0x0  }
0xf0: {  	[sflag:s21] =	ssyncadd.s32 $0xFFFFC180  }
0xf1: {  	[spmem:s2] =	stream.indirect.scatter.add.f32 [tilespmem:s17], [sflag:$0x2], $0x80, s25, s20, $0xb8;
	[tilespmem:$0x18800] =	vst v63  }
0xf2: {  	_ =	swait.ge [sflag:s18], $0x3E80  }
0xf3: {  	[sflag:s18] =	ssyncset.done $0x0  }
0xf4: {  	[sflag:s18] =	ssyncadd.s32 $0xFFFFC180  }
0xf5: {  	[tilespmem:s17], [sflag:$0x1] =	stream.indirect.gather [hbm4b:s4+s20], $0x80, s26, s20, $0xb8;
	[tilespmem:$0x18800] =	vst v63  }
0xf6: {  	_ =	swait.ge [sflag:s21], $0x3E80  }
0xf7: {  	[sflag:s21] =	ssyncset.done $0x0  }
0xf8: {  	[sflag:s21] =	ssyncadd.s32 $0xFFFFC180  }
0xf9: {  	[spmem:s2] =	stream.indirect.scatter.add.f32 [tilespmem:s17], [sflag:$0x2], $0x80, s28, s20, $0xb8;
	[tilespmem:$0x18800] =	vst v63  }
0xfa: {  	_ =	swait.ge [sflag:s18], $0x3E80  }
0xfb: {  	[sflag:s18] =	ssyncset.done $0x0  }
0xfc: {  	[sflag:s18] =	ssyncadd.s32 $0xFFFFC180  }
0xfd: {  	[tilespmem:s17], [sflag:$0x1] =	stream.indirect.gather [hbm4b:s4+s20], $0x80, s29, s20, $0xb8;
	[tilespmem:$0x18800] =	vst v63  }
0xfe: {  	_ =	swait.ge [sflag:s21], $0x3E80  }
0xff: {  	[sflag:s21] =	ssyncset.done $0x0  }
0x100: {  	[sflag:s21] =	ssyncadd.s32 $0xFFFFC180  }
0x101: {  	[spmem:s2] =	stream.indirect.scatter.add.f32 [tilespmem:s17], [sflag:$0x2], $0x80, s30, s20, $0xb8;
	[tilespmem:$0x18800] =	vst v63  }
0x102: {  	_ =	swait.ge [sflag:s18], $0x3E80  }
0x103: {  	[sflag:s18] =	ssyncset.done $0x0  }
0x104: {  	[sflag:s18] =	ssyncadd.s32 $0xFFFFC180  }
0x105: {  	[tilespmem:s17], [sflag:$0x1] =	stream.indirect.gather [hbm4b:s4+s20], $0x80, s31, s20, $0xb8;
	[tilespmem:$0x18800] =	vst v63  }
0x106: {  	_ =	swait.ge [sflag:s21], $0x3E80  }
0x107: {  	[sflag:s21] =	ssyncset.done $0x0  }
0x108: {  	[sflag:s21] =	ssyncadd.s32 $0xFFFFC180  }
0x109: {  	[spmem:s2] =	stream.indirect.scatter.add.f32 [tilespmem:s17], [sflag:$0x2], $0x80, s1, s20, $0xb8;
	[tilespmem:$0x18800] =	vst v63  }
0x10a: {  	_ =	swait.ge [sflag:s18], $0x3E80  }
0x10b: {  	[sflag:s18] =	ssyncset.done $0x0  }
0x10c: {  	[sflag:s18] =	ssyncadd.s32 $0xFFFFC180  }
0x10d: {  	[tilespmem:s17], [sflag:$0x1] =	stream.indirect.gather [hbm4b:s4+s20], $0x80, s0, s20, $0xb8;
	[tilespmem:$0x18800] =	vst v63  }
0x10e: {  	_ =	swait.ge [sflag:s21], $0x3E80  }
0x10f: {  	[sflag:s21] =	ssyncset.done $0x0  }
0x110: {  	[sflag:s21] =	ssyncadd.s32 $0xFFFFC180  }
0x111: {  	[spmem:s2] =	stream.indirect.scatter.add.f32 [tilespmem:s17], [sflag:$0x2], $0x80, s6, s20, $0xb8;
	[tilespmem:$0x18800] =	vst v63  }
0x112: {  	_ =	swait.ge [sflag:s18], $0x3E80  }
0x113: {  	[sflag:s18] =	ssyncset.done $0x0  }
0x114: {  	[sflag:s18] =	ssyncadd.s32 $0xFFFFC180  }
0x115: {  	[tilespmem:s17], [sflag:$0x1] =	stream.indirect.gather [hbm4b:s4+s20], $0x80, s7, s20, $0xb8;
	[tilespmem:$0x18800] =	vst v63  }
0x116: {  	_ =	swait.ge [sflag:s21], $0x3E80  }
0x117: {  	[sflag:s21] =	ssyncset.done $0x0  }
0x118: {  	[sflag:s21] =	ssyncadd.s32 $0xFFFFC180  }
0x119: {  	[spmem:s2] =	stream.indirect.scatter.add.f32 [tilespmem:s17], [sflag:$0x2], $0x80, s8, s20, $0xb8;
	[tilespmem:$0x18800] =	vst v63  }
0x11a: {  	_ =	swait.ge [sflag:s18], $0x3E80  }
0x11b: {  	[sflag:s18] =	ssyncset.done $0x0  }
0x11c: {  	s12 =	stileid.u32;
	[sflag:s18] =	ssyncadd.s32 $0xFFFFC180  }
0x11d: {  	s10 =	sshll.u32 s12, $0x6;
	[bflag:$0x0] =	sbarrier.arrive $0xFFFF  }
0x11e: {  	s13 =	sshrl.u32 s5, $0x3;
	s10 =	sor.u32 $0x1C02, s10;
	s12 =	rddreg [dreg:$0xc]  }
0x11f: {  	[hbm:s12], [sflag:s10] =	dma.local [spmem:s13], $0x2800  }
0x120: {  	_ =	swait.ge [sflag:s18], $0x2800  }
0x121: {  	s9 =	sadd.s32 $0x1, s9;
	s14 =	rddreg [dreg:$0x4]  }
0x122: {  	p0 =	sne.s32 s9, s14  }
.Ltmp2:
0x123: {  	_ = 	snop;
	(pc) =	sbr.rel @p0 .LBB2_1-.Ltmp2, $3  }
0x124: {  	_ =	sdelay $0x1  }
0x125: {  	[sflag:s18] =	ssyncset.done $0x0  }
0x126: {  	[sflag:s18] =	ssyncadd.s32 $0xFFFFD800  }
0x127: {  	_ =	sfence.sel $0x180000  }
0x128: {  	[bflag:$0x0] =	sbarrier.arrive $0xFFFF  }
0x129: {  	_ =	strace $0x9000004A  }
0x12a: {  	s0 =	stileid.u32;
	[bflag:$0x2] =	sbarrier.arrive $0xFFFF  }
0x12b: {  	p0 =	sne.s32 s0, $0x0;
	s0 =	rddreg [dreg:$0x3]  }
0x12c: {  	s0 =	sadd.s32 @!p0 $0x100000, s0  }
0x12d: {  	[sflag:s0] =	ssyncadd.tile.s32 @!p0 $0x1;
	_ =	shalt  }
.Lfunc_end2:
_tile_overlayer_lowered:
.L_overlay_start_2:
0x12e: {  	(tag) =	ssettag $0x2  }
0x12f: {  	s0 =	rddreg [dreg:$0x0];
	s2 =	stileid.u32  }
0x130: {  	s1 =	rddreg [dreg:$0x1];
	p0 =	sne.s32 s2, $0x0  }
0x131: {  	s3 =	rddreg [dreg:$0x2];
	[bflag:$0x3] =	sbarrier.arrive $0xFFFF;
	s2 =	simm.s32 @!p0 $0x1C02  }
0x132: {  	[timem:s3], [sflag:s2] =	dma.local @!p0 [hbm:s0], s1  }
0x133: {  	s0 =	simm.s32 @!p0 $0x2  }
0x134: {  	_ =	swait.ge @!p0 [sflag:s0], s1  }
0x135: {  	s1 =	ssub.s32 @!p0 $0x0, s1;
	[sflag:s0] =	ssyncset.done @!p0 $0x0  }
0x136: {  	[sflag:s0] =	ssyncadd.s32 @!p0 s1  }
0x137: {  	[bflag:$0x3] =	sbarrier.arrive $0xFFFF  }
0x138: {  	_ =	shalt  }

</sc_bundles>
